<compile_context>
chip_gen: v7x
topology: tpu7x:2x2x1
jax: 0.10.2.dev20260603
libtpu: 0.0.44.dev20260713+nightly
codegen_flags: <defaults>
</compile_context>

<pallas_src>
import dataclasses
import functools

import jax
import jax.numpy as jnp
from jax import lax
from jax.experimental import pallas as pl
from jax.experimental.pallas import tpu as pltpu
from jax.experimental.pallas import tpu_sc as plsc

T = 2048
D = 768
E = 8
FF = 512
BM = 512
CAP = 8192
NB = CAP // BM
SB = 512

NWORK = 32
CHD = 64
CHC = 32


def _gate_route_body(x_ref, gw_ref, d01_ref, be_ref, wb0_ref, wb1_ref,
                     xp_ref):
    x = x_ref[...]
    gw = gw_ref[...]
    logits = lax.dot_general(x, gw, (((1,), (1,)), ((), ())),
                             preferred_element_type=jnp.float32)

    m1 = jnp.max(logits, axis=1, keepdims=True)
    eq1 = (logits == m1).astype(jnp.float32)
    li = lax.broadcasted_iota(jnp.int32, (E, E), 0)
    lj = lax.broadcasted_iota(jnp.int32, (E, E), 1)
    incl = (li <= lj).astype(jnp.float32)
    c1 = lax.dot_general(eq1, incl, (((1,), (0,)), ((), ())),
                         preferred_element_type=jnp.float32,
                         precision=lax.Precision.HIGHEST)
    oh1 = eq1 * (c1 == 1.0).astype(jnp.float32)
    logits2 = logits - oh1 * 1e30
    m2 = jnp.max(logits2, axis=1, keepdims=True)
    eq2 = (logits2 == m2).astype(jnp.float32)
    c2 = lax.dot_general(eq2, incl, (((1,), (0,)), ((), ())),
                         preferred_element_type=jnp.float32,
                         precision=lax.Precision.HIGHEST)
    oh2 = eq2 * (c2 == 1.0).astype(jnp.float32)

    w0 = 1.0 / (1.0 + jnp.exp(m2 - m1))
    w1v = 1.0 - w0

    P = jnp.concatenate([oh1, oh2], axis=1)
    si = lax.broadcasted_iota(jnp.int32, (SB, SB), 0)
    sj = lax.broadcasted_iota(jnp.int32, (SB, SB), 1)
    tri = (sj < si).astype(jnp.bfloat16)
    carry = jnp.zeros((1, 2 * E), jnp.float32)
    rank_blocks = []
    for b in range(T // SB):
        pb = lax.slice(P, (b * SB, 0), ((b + 1) * SB, 2 * E))
        local = lax.dot_general(tri, pb.astype(jnp.bfloat16),
                                (((1,), (0,)), ((), ())),
                                preferred_element_type=jnp.float32)
        rank_blocks.append(local + carry)
        carry = carry + jnp.sum(pb, axis=0, keepdims=True)
    ranks = jnp.concatenate(rank_blocks, axis=0)
    counts0 = lax.slice(carry, (0, 0), (1, E))
    counts1 = lax.slice(carry, (0, E), (1, 2 * E))
    counts = counts0 + counts1

    padded = jnp.floor((counts + (BM - 1)) * (1.0 / BM)) * BM
    upper = (li < lj).astype(jnp.float32)
    off = lax.dot_general(padded, upper, (((1,), (0,)), ((), ())),
                          preferred_element_type=jnp.float32,
                          precision=lax.Precision.HIGHEST)
    total = jnp.sum(padded, axis=1, keepdims=True)

    rank0 = lax.slice(ranks, (0, 0), (T, E))
    rank1 = lax.slice(ranks, (0, E), (T, 2 * E))
    dest0 = jnp.sum(oh1 * (off + rank0), axis=1)
    dest1 = jnp.sum(oh2 * (off + counts0 + rank1), axis=1)

    bs = lax.broadcasted_iota(jnp.int32, (NB, E), 0).astype(jnp.float32) * BM
    ind = jnp.logical_and(bs >= off, bs < off + padded).astype(jnp.float32)
    ei = lax.broadcasted_iota(jnp.int32, (NB, E), 1).astype(jnp.float32)
    bef = jnp.sum(ei * ind, axis=1) + 7.0 * (bs[:, 0] >= total[0, 0]).astype(
        jnp.float32)

    nact = total[0, :] * (1.0 / BM)
    d01 = dest0.astype(jnp.int32) | (dest1.astype(jnp.int32) << 16)
    d01_ref[...] = d01.reshape(16, T // 16)
    be_ref[...] = jnp.pad(jnp.concatenate([bef, nact]).astype(jnp.int32),
                          (0, 128 - NB - 1))[None, :]
    wb0_ref[...] = jnp.broadcast_to(w0, (T, 128))
    wb1_ref[...] = jnp.broadcast_to(w1v, (T, 128))

    xb = x.astype(jnp.bfloat16)
    lhalf = lax.bitcast_convert_type(xb[:, :D // 2], jnp.uint16)
    rhalf = lax.bitcast_convert_type(xb[:, D // 2:], jnp.uint16)
    packed = (lhalf.astype(jnp.uint32) << 16) | rhalf.astype(jnp.uint32)
    xp_ref[...] = lax.bitcast_convert_type(packed, jnp.int32)


def _gate_route(x, gate_weight):
    return pl.pallas_call(
        _gate_route_body,
        out_shape=[
            jax.ShapeDtypeStruct((16, T // 16), jnp.int32),
            jax.ShapeDtypeStruct((1, 128), jnp.int32),
            jax.ShapeDtypeStruct((T, 128), jnp.float32),
            jax.ShapeDtypeStruct((T, 128), jnp.float32),
            jax.ShapeDtypeStruct((T, D // 2), jnp.int32),
        ],
    )(x, gate_weight)


def _unpack_idx(dp_v, i0_v, i1_v, n):
    @pl.loop(0, n // 16)
    def _(c):
        sl = pl.ds(c * 16, 16)
        p = dp_v[sl]
        i0_v[sl] = p & jnp.int32(0xFFFF)
        i1_v[sl] = p >> 16


def _dispatch_body(x_hbm, d01_hbm, w0_hbm, w1_hbm, xs_hbm, ws_hbm,
                   dp_v, i0_v, i1_v, rows_v, wrow_v):
    wid = lax.axis_index("s") * 2 + lax.axis_index("c")
    base = wid * CHD
    pltpu.sync_copy(x_hbm.at[pl.ds(base, CHD)], rows_v)
    pltpu.sync_copy(d01_hbm.at[pl.ds(base, CHD)], dp_v)
    _unpack_idx(dp_v, i0_v, i1_v, CHD)
    pltpu.sync_copy(w0_hbm.at[pl.ds(base, CHD)], wrow_v)
    pltpu.sync_copy(rows_v, xs_hbm.at[i0_v])
    pltpu.sync_copy(wrow_v, ws_hbm.at[i0_v])
    pltpu.sync_copy(w1_hbm.at[pl.ds(base, CHD)], wrow_v)
    pltpu.sync_copy(rows_v, xs_hbm.at[i1_v])
    pltpu.sync_copy(wrow_v, ws_hbm.at[i1_v])


@functools.cache
def _dispatch_kernel():
    mesh = plsc.VectorSubcoreMesh(core_axis_name="c", subcore_axis_name="s")
    cp = pltpu.CompilerParams()
    if "needs_layout_passes" in pltpu.CompilerParams.__dataclass_fields__:
        cp = dataclasses.replace(cp, needs_layout_passes=False)
    return pl.kernel(
        _dispatch_body,
        mesh=mesh,
        compiler_params=cp,
        out_type=[
            jax.ShapeDtypeStruct((CAP, D // 2), jnp.int32),
            jax.ShapeDtypeStruct((CAP, 128), jnp.float32),
        ],
        scratch_types=[
            pltpu.VMEM((CHD,), jnp.int32),
            pltpu.VMEM((CHD,), jnp.int32),
            pltpu.VMEM((CHD,), jnp.int32),
            pltpu.VMEM((CHD, D // 2), jnp.int32),
            pltpu.VMEM((CHD, 128), jnp.float32),
        ],
    )


def _gemm_body(be_ref, xs_ref, ws_ref, w1_ref, w2_ref, out_ref):
    @pl.when(pl.program_id(0) < be_ref[NB])
    def _():
        pu = lax.bitcast_convert_type(xs_ref[...], jnp.uint32)
        lhalf = lax.bitcast_convert_type((pu >> 16).astype(jnp.uint16),
                                         jnp.bfloat16)
        rhalf = lax.bitcast_convert_type(pu.astype(jnp.uint16), jnp.bfloat16)
        xb = jnp.concatenate([lhalf, rhalf], axis=1)
        w1e = w1_ref[0].astype(jnp.bfloat16)
        fc1 = lax.dot_general(xb, w1e, (((1,), (0,)), ((), ())),
                              preferred_element_type=jnp.float32)
        g = fc1[:, :FF]
        u = fc1[:, FF:]
        h = g * (1.0 / (1.0 + jnp.exp(-g))) * u
        h = h * ws_ref[...][:, 0:1]
        w2e = w2_ref[0].astype(jnp.bfloat16)
        h2 = lax.dot_general(h.astype(jnp.bfloat16), w2e,
                             (((1,), (0,)), ((), ())),
                             preferred_element_type=jnp.float32)
        hb = h2.astype(jnp.bfloat16)
        lo = lax.bitcast_convert_type(hb[:, :D // 2], jnp.uint16)
        ro = lax.bitcast_convert_type(hb[:, D // 2:], jnp.uint16)
        out_ref[...] = lax.bitcast_convert_type(
            (lo.astype(jnp.uint32) << 16) | ro.astype(jnp.uint32), jnp.int32)


def _gemm(be, xs, ws, w1, w2):
    grid_spec = pltpu.PrefetchScalarGridSpec(
        num_scalar_prefetch=1,
        grid=(NB,),
        in_specs=[
            pl.BlockSpec((BM, D // 2),
                         lambda j, be_ref: (jnp.minimum(j, be_ref[NB] - 1), 0)),
            pl.BlockSpec((BM, 128),
                         lambda j, be_ref: (jnp.minimum(j, be_ref[NB] - 1), 0)),
            pl.BlockSpec((1, D, 2 * FF), lambda j, be_ref: (be_ref[j], 0, 0)),
            pl.BlockSpec((1, FF, D), lambda j, be_ref: (be_ref[j], 0, 0)),
        ],
        out_specs=pl.BlockSpec((BM, D // 2), lambda j, be_ref: (j, 0)),
    )
    return pl.pallas_call(
        _gemm_body,
        grid_spec=grid_spec,
        out_shape=jax.ShapeDtypeStruct((CAP, D // 2), jnp.int32),
    )(be, xs, ws, w1, w2)


def _combine_sum(g0_v, g1_v, y_v):
    @pl.loop(0, CHC)
    def _(r):
        @plsc.parallel_loop(0, D // 32, unroll=4)
        def _(c):
            sl = pl.ds(c * 16, 16)
            sh = pl.ds(D // 2 + c * 16, 16)
            p0 = g0_v[r, sl]
            p1 = g1_v[r, sl]
            l0 = plsc.bitcast(p0 & jnp.int32(-65536), jnp.float32)
            l1 = plsc.bitcast(p1 & jnp.int32(-65536), jnp.float32)
            r0 = plsc.bitcast(p0 << 16, jnp.float32)
            r1 = plsc.bitcast(p1 << 16, jnp.float32)
            y_v[r, sl] = l0 + l1
            y_v[r, sh] = r0 + r1


def _combine_body(h2_hbm, d01_hbm, y_hbm, dp_v, i0a, i1a, i0b, i1b,
                  g0a, g1a, g0b, g1b, ya, yb, sem, semw):
    wid = lax.axis_index("s") * 2 + lax.axis_index("c")
    base = wid * (2 * CHC)

    pltpu.sync_copy(d01_hbm.at[pl.ds(base, CHC)], dp_v)
    _unpack_idx(dp_v, i0a, i1a, CHC)
    ga0 = pltpu.make_async_copy(h2_hbm.at[i0a], g0a, sem)
    ga1 = pltpu.make_async_copy(h2_hbm.at[i1a], g1a, sem)
    ga0.start()
    ga1.start()
    pltpu.sync_copy(d01_hbm.at[pl.ds(base + CHC, CHC)], dp_v)
    _unpack_idx(dp_v, i0b, i1b, CHC)
    gb0 = pltpu.make_async_copy(h2_hbm.at[i0b], g0b, sem)
    gb1 = pltpu.make_async_copy(h2_hbm.at[i1b], g1b, sem)
    gb0.start()
    gb1.start()
    ga0.wait()
    ga1.wait()
    _combine_sum(g0a, g1a, ya)
    wa = pltpu.make_async_copy(ya, y_hbm.at[pl.ds(base, CHC)], semw)
    wa.start()
    gb0.wait()
    gb1.wait()
    _combine_sum(g0b, g1b, yb)
    wa.wait()
    pltpu.sync_copy(yb, y_hbm.at[pl.ds(base + CHC, CHC)])


@functools.cache
def _combine_kernel():
    mesh = plsc.VectorSubcoreMesh(core_axis_name="c", subcore_axis_name="s")
    cp = pltpu.CompilerParams()
    if "needs_layout_passes" in pltpu.CompilerParams.__dataclass_fields__:
        cp = dataclasses.replace(cp, needs_layout_passes=False)
    return pl.kernel(
        _combine_body,
        mesh=mesh,
        compiler_params=cp,
        out_type=jax.ShapeDtypeStruct((T, D), jnp.float32),
        scratch_types=[
            pltpu.VMEM((CHC,), jnp.int32),
            pltpu.VMEM((CHC,), jnp.int32),
            pltpu.VMEM((CHC,), jnp.int32),
            pltpu.VMEM((CHC,), jnp.int32),
            pltpu.VMEM((CHC,), jnp.int32),
            pltpu.VMEM((CHC, D // 2), jnp.int32),
            pltpu.VMEM((CHC, D // 2), jnp.int32),
            pltpu.VMEM((CHC, D // 2), jnp.int32),
            pltpu.VMEM((CHC, D // 2), jnp.int32),
            pltpu.VMEM((CHC, D), jnp.float32),
            pltpu.VMEM((CHC, D), jnp.float32),
            pltpu.SemaphoreType.DMA,
            pltpu.SemaphoreType.DMA,
        ],
    )


def kernel(hidden_states, gate_weight, w1, w2):
    x = hidden_states.reshape(T, D)
    d01o, beo, wb0, wb1, xp = _gate_route(x, gate_weight)
    d01 = d01o.reshape(T)
    be = beo.reshape(128)
    xs, ws = _dispatch_kernel()(xp, d01, wb0, wb1)
    h2 = _gemm(be, xs, ws, w1, w2)
    y = _combine_kernel()(h2, d01)
    return y.reshape(hidden_states.shape)

# --- scband reference (transcript-rebuilt; emitter-appended) ---
"""Pipeline reference for scband-grouped-mo-e-25615184953558 (READ-ONLY COPY).

The authoritative reference and input builder live on the scoring server;
editing this copy changes nothing except your own understanding.
"""

import jax, jax.numpy as jnp
import numpy as np

B, S, D = 1, 2048, 768
E, K, FF = 8, 2, 512


def setup_inputs(seed: int = 0):
    key = jax.random.key(seed)
    ks = jax.random.split(key, 4)
    hidden_states = jax.random.normal(ks[0], (B, S, D), dtype=jnp.float32)
    # MoEGate router weight [n_routed_experts, hidden_size]
    gate_weight = jax.random.normal(ks[1], (E, D), dtype=jnp.float32) * 0.02
    # linear_1 weight viewed as [E, hidden_size, 2*moe_intermediate_size] (swiglu: gate||up)
    w1 = jax.random.normal(ks[2], (E, D, 2 * FF), dtype=jnp.float32) * 0.02
    # linear_2 weight viewed as [E, moe_intermediate_size, hidden_size]
    w2 = jax.random.normal(ks[3], (E, FF, D), dtype=jnp.float32) * 0.02
    return {"hidden_states": hidden_states, "gate_weight": gate_weight, "w1": w1, "w2": w2}


def _moe_forward(hidden_states, gate_weight, w1, w2):
    out_shape = hidden_states.shape
    x = hidden_states.reshape(-1, out_shape[-1])  # [T, D]
    # --- gate: softmax over router logits, top-k selection, weight renorm ---
    logits = x @ gate_weight.T  # [T, E]
    scores = jax.nn.softmax(logits, axis=-1)
    topk_w, topk_idx = jax.lax.top_k(scores, K)  # [T, K]
    topk_w = topk_w / jnp.sum(topk_w, axis=-1, keepdims=True)
    # --- grouped expert MLP (swiglu), expressed densely with routing masks ---
    # math-faithful to permute -> gmm(w1) -> silu(gate)*up -> gmm(w2) -> unpermute+weighted-sum
    y = jnp.zeros_like(x)
    for e in range(E):
        fc1 = x @ w1[e]  # [T, 2*FF]
        gate_h, up_h = jnp.split(fc1, 2, axis=-1)
        h = (jax.nn.silu(gate_h) * up_h) @ w2[e]  # [T, D]
        we = jnp.sum(jnp.where(topk_idx == e, topk_w, 0.0), axis=-1)  # [T]
        y = y + we[:, None] * h
    return y.reshape(out_shape)


def reference(hidden_states, gate_weight, w1, w2):
    # eval mode: AddAuxiliaryLoss is identity; n_shared_experts=0 -> no shared branch
    return _moe_forward(hidden_states, gate_weight, w1, w2)

if __name__ == "__main__":
    import jax
    _d = setup_inputs()
    print(jax.jit(kernel)(*tuple(_d.values())))

</pallas_src>

<mosaic_0001>
#map = affine_map<(d0, d1) -> (0, 0)>
#map1 = affine_map<(d0, d1) -> (0)>
module attributes {stable_mosaic.version = 14 : i64} {
  func.func @_dispatch_body(%arg0: i32, %arg1: i32, %arg2: memref<2048x384xi32, #tpu.memory_space<hbm>>, %arg3: memref<2048xi32, #tpu.memory_space<hbm>>, %arg4: memref<2048x128xf32, #tpu.memory_space<hbm>>, %arg5: memref<2048x128xf32, #tpu.memory_space<hbm>>, %arg6: memref<8192x384xi32, #tpu.memory_space<hbm>>, %arg7: memref<8192x128xf32, #tpu.memory_space<hbm>>, %arg8: memref<64xi32, #tpu.memory_space<vmem>>, %arg9: memref<64xi32, #tpu.memory_space<vmem>>, %arg10: memref<64xi32, #tpu.memory_space<vmem>>, %arg11: memref<64x384xi32, #tpu.memory_space<vmem>>, %arg12: memref<64x128xf32, #tpu.memory_space<vmem>>) attributes {dimension_semantics = [#tpu.dimension_semantics<core_parallel>, #tpu.dimension_semantics<subcore_parallel>], iteration_bounds = array<i64: 2, 16>, scalar_prefetch = 0 : i64, scratch_operands = 5 : i64, tpu.core_type = #tpu.core_type<sc_vector_subcore>, window_params = [{transform_indices = #map}, {transform_indices = #map1}, {transform_indices = #map}, {transform_indices = #map}, {transform_indices = #map}, {transform_indices = #map}]} {
    %mul3A = arith.constant 2 : i32
    %mul3A_0 = arith.muli %arg1, %mul3A : i32
    %add3A = arith.addi %mul3A_0, %arg0 : i32
    %mul3A_1 = arith.constant 64 : i32
    %mul3A_2 = arith.muli %add3A, %mul3A_1 : i32
    "tpu.region"() ({
      %run_scoped3A = tpu.sem_alloc : memref<!tpu.dma_semaphore, #tpu.memory_space<semaphore_mem>>
      %dma_start3A = arith.constant 0 : i32
      %dma_start3A_7 = tpu.memref_slice %arg2[%mul3A_2, %dma_start3A] : memref<2048x384xi32, #tpu.memory_space<hbm>> -> memref<64x384xi32, #tpu.memory_space<hbm>>
      %dma_start3A_8 = arith.constant 0 : i32
      %dma_start3A_9 = tpu.memref_slice %arg2[%mul3A_2, %dma_start3A_8] : memref<2048x384xi32, #tpu.memory_space<hbm>> -> memref<64x384xi32, #tpu.memory_space<hbm>>
      tpu.enqueue_dma source(%dma_start3A_9 : memref<64x384xi32, #tpu.memory_space<hbm>>) target(%arg11 : memref<64x384xi32, #tpu.memory_space<vmem>>) target_semaphore(%run_scoped3A : memref<!tpu.dma_semaphore, #tpu.memory_space<semaphore_mem>>)
      %dma_wait3A = arith.constant 0 : i32
      %dma_wait3A_10 = tpu.memref_slice %arg2[%mul3A_2, %dma_wait3A] : memref<2048x384xi32, #tpu.memory_space<hbm>> -> memref<64x384xi32, #tpu.memory_space<hbm>>
      %dma_wait3A_11 = arith.constant 0 : i32
      %dma_wait3A_12 = tpu.memref_slice %arg2[%mul3A_2, %dma_wait3A_11] : memref<2048x384xi32, #tpu.memory_space<hbm>> -> memref<64x384xi32, #tpu.memory_space<hbm>>
      tpu.wait_dma2 semaphore(%run_scoped3A : memref<!tpu.dma_semaphore, #tpu.memory_space<semaphore_mem>>) src(%dma_wait3A_12 : memref<64x384xi32, #tpu.memory_space<hbm>>) dst(%arg11 : memref<64x384xi32, #tpu.memory_space<vmem>>)
      tpu.yield
    }) : () -> ()
    "tpu.region"() ({
      %run_scoped3A = tpu.sem_alloc : memref<!tpu.dma_semaphore, #tpu.memory_space<semaphore_mem>>
      %dma_start3A = tpu.memref_slice %arg3[%mul3A_2] : memref<2048xi32, #tpu.memory_space<hbm>> -> memref<64xi32, #tpu.memory_space<hbm>>
      %dma_start3A_7 = tpu.memref_slice %arg3[%mul3A_2] : memref<2048xi32, #tpu.memory_space<hbm>> -> memref<64xi32, #tpu.memory_space<hbm>>
      tpu.enqueue_dma source(%dma_start3A_7 : memref<64xi32, #tpu.memory_space<hbm>>) target(%arg8 : memref<64xi32, #tpu.memory_space<vmem>>) target_semaphore(%run_scoped3A : memref<!tpu.dma_semaphore, #tpu.memory_space<semaphore_mem>>)
      %dma_wait3A = tpu.memref_slice %arg3[%mul3A_2] : memref<2048xi32, #tpu.memory_space<hbm>> -> memref<64xi32, #tpu.memory_space<hbm>>
      %dma_wait3A_8 = tpu.memref_slice %arg3[%mul3A_2] : memref<2048xi32, #tpu.memory_space<hbm>> -> memref<64xi32, #tpu.memory_space<hbm>>
      tpu.wait_dma2 semaphore(%run_scoped3A : memref<!tpu.dma_semaphore, #tpu.memory_space<semaphore_mem>>) src(%dma_wait3A_8 : memref<64xi32, #tpu.memory_space<hbm>>) dst(%arg8 : memref<64xi32, #tpu.memory_space<vmem>>)
      tpu.yield
    }) : () -> ()
    %scan3A = arith.constant 0 : i32
    %scan3A_3 = arith.constant 4 : i32
    %scan3A_4 = arith.addi %scan3A, %scan3A_3 : i32
    %scan3A_5 = arith.constant 1 : i32
    scf.for %scan3A_7 = %scan3A to %scan3A_4 step %scan3A_5  : i32 {
      %mul3A_8 = arith.constant 1 : i32
      %mul3A_9 = arith.muli %scan3A_7, %mul3A_8 : i32
      %add3A_10 = arith.constant 0 : i32
      %add3A_11 = arith.addi %add3A_10, %mul3A_9 : i32
      %mul3A_12 = arith.constant 16 : i32
      %mul3A_13 = arith.muli %add3A_11, %mul3A_12 : i32
      %get3A = arith.index_cast %mul3A_13 : i32 to index
      %get3A_14 = tpu.vector_load %arg8[%get3A] {strides = array<i32>} : memref<64xi32, #tpu.memory_space<vmem>>, vector<16xi32>,
      %and3A = arith.constant 65535 : i32
      %and3A_15 = vector.broadcast %and3A : i32 to vector<16xi32>
      %and3A_16 = arith.andi %get3A_14, %and3A_15 : vector<16xi32>
      %swap3A = arith.index_cast %mul3A_13 : i32 to index
      %swap3A_17 = tpu.vector_load %arg9[%swap3A] {strides = array<i32>} : memref<64xi32, #tpu.memory_space<vmem>>, vector<16xi32>,
      tpu.vector_store %arg9[%swap3A], %and3A_16 {strides = array<i32>} : memref<64xi32, #tpu.memory_space<vmem>>, vector<16xi32>,
      %shift_right_arithmetic3A = arith.constant 16 : i32
      %shift_right_arithmetic3A_18 = vector.broadcast %shift_right_arithmetic3A : i32 to vector<16xi32>
      %shift_right_arithmetic3A_19 = arith.shrsi %get3A_14, %shift_right_arithmetic3A_18 : vector<16xi32>
      %swap3A_20 = arith.index_cast %mul3A_13 : i32 to index
      %swap3A_21 = tpu.vector_load %arg10[%swap3A_20] {strides = array<i32>} : memref<64xi32, #tpu.memory_space<vmem>>, vector<16xi32>,
      tpu.vector_store %arg10[%swap3A_20], %shift_right_arithmetic3A_19 {strides = array<i32>} : memref<64xi32, #tpu.memory_space<vmem>>, vector<16xi32>,
    }
    %scan3A_6 = arith.constant 4 : i32
    "tpu.region"() ({
      %run_scoped3A = tpu.sem_alloc : memref<!tpu.dma_semaphore, #tpu.memory_space<semaphore_mem>>
      %dma_start3A = arith.constant 0 : i32
      %dma_start3A_7 = tpu.memref_slice %arg4[%mul3A_2, %dma_start3A] : memref<2048x128xf32, #tpu.memory_space<hbm>> -> memref<64x128xf32, #tpu.memory_space<hbm>>
      %dma_start3A_8 = arith.constant 0 : i32
      %dma_start3A_9 = tpu.memref_slice %arg4[%mul3A_2, %dma_start3A_8] : memref<2048x128xf32, #tpu.memory_space<hbm>> -> memref<64x128xf32, #tpu.memory_space<hbm>>
      tpu.enqueue_dma source(%dma_start3A_9 : memref<64x128xf32, #tpu.memory_space<hbm>>) target(%arg12 : memref<64x128xf32, #tpu.memory_space<vmem>>) target_semaphore(%run_scoped3A : memref<!tpu.dma_semaphore, #tpu.memory_space<semaphore_mem>>)
      %dma_wait3A = arith.constant 0 : i32
      %dma_wait3A_10 = tpu.memref_slice %arg4[%mul3A_2, %dma_wait3A] : memref<2048x128xf32, #tpu.memory_space<hbm>> -> memref<64x128xf32, #tpu.memory_space<hbm>>
      %dma_wait3A_11 = arith.constant 0 : i32
      %dma_wait3A_12 = tpu.memref_slice %arg4[%mul3A_2, %dma_wait3A_11] : memref<2048x128xf32, #tpu.memory_space<hbm>> -> memref<64x128xf32, #tpu.memory_space<hbm>>
      tpu.wait_dma2 semaphore(%run_scoped3A : memref<!tpu.dma_semaphore, #tpu.memory_space<semaphore_mem>>) src(%dma_wait3A_12 : memref<64x128xf32, #tpu.memory_space<hbm>>) dst(%arg12 : memref<64x128xf32, #tpu.memory_space<vmem>>)
      tpu.yield
    }) : () -> ()
    "tpu.region"() ({
      %run_scoped3A = tpu.sem_alloc : memref<!tpu.dma_semaphore, #tpu.memory_space<semaphore_mem>>
      %dma_start3A = arith.constant 0 : i32
      %dma_start3A_7 = arith.constant 0 : i32
      %dma_start3A_8 = tpu.memref_slice %arg6[%dma_start3A, %dma_start3A_7] : memref<8192x384xi32, #tpu.memory_space<hbm>> -> memref<8192x384xi32, #tpu.memory_space<hbm>>
      tpu.enqueue_indirect_dma source(%arg11 : memref<64x384xi32, #tpu.memory_space<vmem>>) target(%dma_start3A_8 : memref<8192x384xi32, #tpu.memory_space<hbm>>) offsets(%arg9 : memref<64xi32, #tpu.memory_space<vmem>>) semaphore(%run_scoped3A : memref<!tpu.dma_semaphore, #tpu.memory_space<semaphore_mem>>)
      %dma_wait3A = arith.constant 0 : i32
      %dma_wait3A_9 = arith.constant 0 : i32
      %dma_wait3A_10 = tpu.memref_slice %arg6[%dma_wait3A, %dma_wait3A_9] : memref<8192x384xi32, #tpu.memory_space<hbm>> -> memref<8192x384xi32, #tpu.memory_space<hbm>>
      tpu.wait_indirect_dma semaphore(%run_scoped3A : memref<!tpu.dma_semaphore, #tpu.memory_space<semaphore_mem>>) src(%arg11 : memref<64x384xi32, #tpu.memory_space<vmem>>) dst(%dma_wait3A_10 : memref<8192x384xi32, #tpu.memory_space<hbm>>)
      tpu.yield
    }) : () -> ()
    "tpu.region"() ({
      %run_scoped3A = tpu.sem_alloc : memref<!tpu.dma_semaphore, #tpu.memory_space<semaphore_mem>>
      %dma_start3A = arith.constant 0 : i32
      %dma_start3A_7 = arith.constant 0 : i32
      %dma_start3A_8 = tpu.memref_slice %arg7[%dma_start3A, %dma_start3A_7] : memref<8192x128xf32, #tpu.memory_space<hbm>> -> memref<8192x128xf32, #tpu.memory_space<hbm>>
      tpu.enqueue_indirect_dma source(%arg12 : memref<64x128xf32, #tpu.memory_space<vmem>>) target(%dma_start3A_8 : memref<8192x128xf32, #tpu.memory_space<hbm>>) offsets(%arg9 : memref<64xi32, #tpu.memory_space<vmem>>) semaphore(%run_scoped3A : memref<!tpu.dma_semaphore, #tpu.memory_space<semaphore_mem>>)
      %dma_wait3A = arith.constant 0 : i32
      %dma_wait3A_9 = arith.constant 0 : i32
      %dma_wait3A_10 = tpu.memref_slice %arg7[%dma_wait3A, %dma_wait3A_9] : memref<8192x128xf32, #tpu.memory_space<hbm>> -> memref<8192x128xf32, #tpu.memory_space<hbm>>
      tpu.wait_indirect_dma semaphore(%run_scoped3A : memref<!tpu.dma_semaphore, #tpu.memory_space<semaphore_mem>>) src(%arg12 : memref<64x128xf32, #tpu.memory_space<vmem>>) dst(%dma_wait3A_10 : memref<8192x128xf32, #tpu.memory_space<hbm>>)
      tpu.yield
    }) : () -> ()
    "tpu.region"() ({
      %run_scoped3A = tpu.sem_alloc : memref<!tpu.dma_semaphore, #tpu.memory_space<semaphore_mem>>
      %dma_start3A = arith.constant 0 : i32
      %dma_start3A_7 = tpu.memref_slice %arg5[%mul3A_2, %dma_start3A] : memref<2048x128xf32, #tpu.memory_space<hbm>> -> memref<64x128xf32, #tpu.memory_space<hbm>>
      %dma_start3A_8 = arith.constant 0 : i32
      %dma_start3A_9 = tpu.memref_slice %arg5[%mul3A_2, %dma_start3A_8] : memref<2048x128xf32, #tpu.memory_space<hbm>> -> memref<64x128xf32, #tpu.memory_space<hbm>>
      tpu.enqueue_dma source(%dma_start3A_9 : memref<64x128xf32, #tpu.memory_space<hbm>>) target(%arg12 : memref<64x128xf32, #tpu.memory_space<vmem>>) target_semaphore(%run_scoped3A : memref<!tpu.dma_semaphore, #tpu.memory_space<semaphore_mem>>)
      %dma_wait3A = arith.constant 0 : i32
      %dma_wait3A_10 = tpu.memref_slice %arg5[%mul3A_2, %dma_wait3A] : memref<2048x128xf32, #tpu.memory_space<hbm>> -> memref<64x128xf32, #tpu.memory_space<hbm>>
      %dma_wait3A_11 = arith.constant 0 : i32
      %dma_wait3A_12 = tpu.memref_slice %arg5[%mul3A_2, %dma_wait3A_11] : memref<2048x128xf32, #tpu.memory_space<hbm>> -> memref<64x128xf32, #tpu.memory_space<hbm>>
      tpu.wait_dma2 semaphore(%run_scoped3A : memref<!tpu.dma_semaphore, #tpu.memory_space<semaphore_mem>>) src(%dma_wait3A_12 : memref<64x128xf32, #tpu.memory_space<hbm>>) dst(%arg12 : memref<64x128xf32, #tpu.memory_space<vmem>>)
      tpu.yield
    }) : () -> ()
    "tpu.region"() ({
      %run_scoped3A = tpu.sem_alloc : memref<!tpu.dma_semaphore, #tpu.memory_space<semaphore_mem>>
      %dma_start3A = arith.constant 0 : i32
      %dma_start3A_7 = arith.constant 0 : i32
      %dma_start3A_8 = tpu.memref_slice %arg6[%dma_start3A, %dma_start3A_7] : memref<8192x384xi32, #tpu.memory_space<hbm>> -> memref<8192x384xi32, #tpu.memory_space<hbm>>
      tpu.enqueue_indirect_dma source(%arg11 : memref<64x384xi32, #tpu.memory_space<vmem>>) target(%dma_start3A_8 : memref<8192x384xi32, #tpu.memory_space<hbm>>) offsets(%arg10 : memref<64xi32, #tpu.memory_space<vmem>>) semaphore(%run_scoped3A : memref<!tpu.dma_semaphore, #tpu.memory_space<semaphore_mem>>)
      %dma_wait3A = arith.constant 0 : i32
      %dma_wait3A_9 = arith.constant 0 : i32
      %dma_wait3A_10 = tpu.memref_slice %arg6[%dma_wait3A, %dma_wait3A_9] : memref<8192x384xi32, #tpu.memory_space<hbm>> -> memref<8192x384xi32, #tpu.memory_space<hbm>>
      tpu.wait_indirect_dma semaphore(%run_scoped3A : memref<!tpu.dma_semaphore, #tpu.memory_space<semaphore_mem>>) src(%arg11 : memref<64x384xi32, #tpu.memory_space<vmem>>) dst(%dma_wait3A_10 : memref<8192x384xi32, #tpu.memory_space<hbm>>)
      tpu.yield
    }) : () -> ()
    "tpu.region"() ({
      %run_scoped3A = tpu.sem_alloc : memref<!tpu.dma_semaphore, #tpu.memory_space<semaphore_mem>>
      %dma_start3A = arith.constant 0 : i32
      %dma_start3A_7 = arith.constant 0 : i32
      %dma_start3A_8 = tpu.memref_slice %arg7[%dma_start3A, %dma_start3A_7] : memref<8192x128xf32, #tpu.memory_space<hbm>> -> memref<8192x128xf32, #tpu.memory_space<hbm>>
      tpu.enqueue_indirect_dma source(%arg12 : memref<64x128xf32, #tpu.memory_space<vmem>>) target(%dma_start3A_8 : memref<8192x128xf32, #tpu.memory_space<hbm>>) offsets(%arg10 : memref<64xi32, #tpu.memory_space<vmem>>) semaphore(%run_scoped3A : memref<!tpu.dma_semaphore, #tpu.memory_space<semaphore_mem>>)
      %dma_wait3A = arith.constant 0 : i32
      %dma_wait3A_9 = arith.constant 0 : i32
      %dma_wait3A_10 = tpu.memref_slice %arg7[%dma_wait3A, %dma_wait3A_9] : memref<8192x128xf32, #tpu.memory_space<hbm>> -> memref<8192x128xf32, #tpu.memory_space<hbm>>
      tpu.wait_indirect_dma semaphore(%run_scoped3A : memref<!tpu.dma_semaphore, #tpu.memory_space<semaphore_mem>>) src(%arg12 : memref<64x128xf32, #tpu.memory_space<vmem>>) dst(%dma_wait3A_10 : memref<8192x128xf32, #tpu.memory_space<hbm>>)
      tpu.yield
    }) : () -> ()
    return
  }
}

#map = affine_map<(d0, d1) -> (0, 0)>
#map1 = affine_map<(d0, d1) -> (0)>
module attributes {stable_mosaic.version = 14 : i64} {
  func.func @_combine_body(%arg0: i32, %arg1: i32, %arg2: memref<8192x384xi32, #tpu.memory_space<hbm>>, %arg3: memref<2048xi32, #tpu.memory_space<hbm>>, %arg4: memref<2048x768xf32, #tpu.memory_space<hbm>>, %arg5: memref<32xi32, #tpu.memory_space<vmem>>, %arg6: memref<32xi32, #tpu.memory_space<vmem>>, %arg7: memref<32xi32, #tpu.memory_space<vmem>>, %arg8: memref<32xi32, #tpu.memory_space<vmem>>, %arg9: memref<32xi32, #tpu.memory_space<vmem>>, %arg10: memref<32x384xi32, #tpu.memory_space<vmem>>, %arg11: memref<32x384xi32, #tpu.memory_space<vmem>>, %arg12: memref<32x384xi32, #tpu.memory_space<vmem>>, %arg13: memref<32x384xi32, #tpu.memory_space<vmem>>, %arg14: memref<32x768xf32, #tpu.memory_space<vmem>>, %arg15: memref<32x768xf32, #tpu.memory_space<vmem>>, %arg16: memref<!tpu.dma_semaphore, #tpu.memory_space<semaphore_mem>>, %arg17: memref<!tpu.dma_semaphore, #tpu.memory_space<semaphore_mem>>) attributes {dimension_semantics = [#tpu.dimension_semantics<core_parallel>, #tpu.dimension_semantics<subcore_parallel>], iteration_bounds = array<i64: 2, 16>, scalar_prefetch = 0 : i64, scratch_operands = 13 : i64, tpu.core_type = #tpu.core_type<sc_vector_subcore>, window_params = [{transform_indices = #map}, {transform_indices = #map1}, {transform_indices = #map}]} {
    %mul3A = arith.constant 2 : i32
    %mul3A_0 = arith.muli %arg1, %mul3A : i32
    %add3A = arith.addi %mul3A_0, %arg0 : i32
    %mul3A_1 = arith.constant 64 : i32
    %mul3A_2 = arith.muli %add3A, %mul3A_1 : i32
    "tpu.region"() ({
      %run_scoped3A = tpu.sem_alloc : memref<!tpu.dma_semaphore, #tpu.memory_space<semaphore_mem>>
      %dma_start3A_56 = tpu.memref_slice %arg3[%mul3A_2] : memref<2048xi32, #tpu.memory_space<hbm>> -> memref<32xi32, #tpu.memory_space<hbm>>
      %dma_start3A_57 = tpu.memref_slice %arg3[%mul3A_2] : memref<2048xi32, #tpu.memory_space<hbm>> -> memref<32xi32, #tpu.memory_space<hbm>>
      tpu.enqueue_dma source(%dma_start3A_57 : memref<32xi32, #tpu.memory_space<hbm>>) target(%arg5 : memref<32xi32, #tpu.memory_space<vmem>>) target_semaphore(%run_scoped3A : memref<!tpu.dma_semaphore, #tpu.memory_space<semaphore_mem>>)
      %dma_wait3A_58 = tpu.memref_slice %arg3[%mul3A_2] : memref<2048xi32, #tpu.memory_space<hbm>> -> memref<32xi32, #tpu.memory_space<hbm>>
      %dma_wait3A_59 = tpu.memref_slice %arg3[%mul3A_2] : memref<2048xi32, #tpu.memory_space<hbm>> -> memref<32xi32, #tpu.memory_space<hbm>>
      tpu.wait_dma2 semaphore(%run_scoped3A : memref<!tpu.dma_semaphore, #tpu.memory_space<semaphore_mem>>) src(%dma_wait3A_59 : memref<32xi32, #tpu.memory_space<hbm>>) dst(%arg5 : memref<32xi32, #tpu.memory_space<vmem>>)
      tpu.yield
    }) : () -> ()
    %scan3A = arith.constant 0 : i32
    %scan3A_3 = arith.constant 2 : i32
    %scan3A_4 = arith.addi %scan3A, %scan3A_3 : i32
    %scan3A_5 = arith.constant 1 : i32
    scf.for %scan3A_56 = %scan3A to %scan3A_4 step %scan3A_5  : i32 {
      %mul3A_57 = arith.constant 1 : i32
      %mul3A_58 = arith.muli %scan3A_56, %mul3A_57 : i32
      %add3A_59 = arith.constant 0 : i32
      %add3A_60 = arith.addi %add3A_59, %mul3A_58 : i32
      %mul3A_61 = arith.constant 16 : i32
      %mul3A_62 = arith.muli %add3A_60, %mul3A_61 : i32
      %get3A = arith.index_cast %mul3A_62 : i32 to index
      %get3A_63 = tpu.vector_load %arg5[%get3A] {strides = array<i32>} : memref<32xi32, #tpu.memory_space<vmem>>, vector<16xi32>,
      %and3A = arith.constant 65535 : i32
      %and3A_64 = vector.broadcast %and3A : i32 to vector<16xi32>
      %and3A_65 = arith.andi %get3A_63, %and3A_64 : vector<16xi32>
      %swap3A = arith.index_cast %mul3A_62 : i32 to index
      %swap3A_66 = tpu.vector_load %arg6[%swap3A] {strides = array<i32>} : memref<32xi32, #tpu.memory_space<vmem>>, vector<16xi32>,
      tpu.vector_store %arg6[%swap3A], %and3A_65 {strides = array<i32>} : memref<32xi32, #tpu.memory_space<vmem>>, vector<16xi32>,
      %shift_right_arithmetic3A = arith.constant 16 : i32
      %shift_right_arithmetic3A_67 = vector.broadcast %shift_right_arithmetic3A : i32 to vector<16xi32>
      %shift_right_arithmetic3A_68 = arith.shrsi %get3A_63, %shift_right_arithmetic3A_67 : vector<16xi32>
      %swap3A_69 = arith.index_cast %mul3A_62 : i32 to index
      %swap3A_70 = tpu.vector_load %arg7[%swap3A_69] {strides = array<i32>} : memref<32xi32, #tpu.memory_space<vmem>>, vector<16xi32>,
      tpu.vector_store %arg7[%swap3A_69], %shift_right_arithmetic3A_68 {strides = array<i32>} : memref<32xi32, #tpu.memory_space<vmem>>, vector<16xi32>,
    }
    %scan3A_6 = arith.constant 2 : i32
    %dma_start3A = arith.constant 0 : i32
    %dma_start3A_7 = arith.constant 0 : i32
    %dma_start3A_8 = tpu.memref_slice %arg2[%dma_start3A, %dma_start3A_7] : memref<8192x384xi32, #tpu.memory_space<hbm>> -> memref<8192x384xi32, #tpu.memory_space<hbm>>
    tpu.enqueue_indirect_dma source(%dma_start3A_8 : memref<8192x384xi32, #tpu.memory_space<hbm>>) target(%arg10 : memref<32x384xi32, #tpu.memory_space<vmem>>) offsets(%arg6 : memref<32xi32, #tpu.memory_space<vmem>>) semaphore(%arg16 : memref<!tpu.dma_semaphore, #tpu.memory_space<semaphore_mem>>)
    %dma_start3A_9 = arith.constant 0 : i32
    %dma_start3A_10 = arith.constant 0 : i32
    %dma_start3A_11 = tpu.memref_slice %arg2[%dma_start3A_9, %dma_start3A_10] : memref<8192x384xi32, #tpu.memory_space<hbm>> -> memref<8192x384xi32, #tpu.memory_space<hbm>>
    tpu.enqueue_indirect_dma source(%dma_start3A_11 : memref<8192x384xi32, #tpu.memory_space<hbm>>) target(%arg11 : memref<32x384xi32, #tpu.memory_space<vmem>>) offsets(%arg7 : memref<32xi32, #tpu.memory_space<vmem>>) semaphore(%arg16 : memref<!tpu.dma_semaphore, #tpu.memory_space<semaphore_mem>>)
    %add3A_12 = arith.constant 32 : i32
    %add3A_13 = arith.addi %mul3A_2, %add3A_12 : i32
    "tpu.region"() ({
      %run_scoped3A = tpu.sem_alloc : memref<!tpu.dma_semaphore, #tpu.memory_space<semaphore_mem>>
      %dma_start3A_56 = tpu.memref_slice %arg3[%add3A_13] : memref<2048xi32, #tpu.memory_space<hbm>> -> memref<32xi32, #tpu.memory_space<hbm>>
      %dma_start3A_57 = tpu.memref_slice %arg3[%add3A_13] : memref<2048xi32, #tpu.memory_space<hbm>> -> memref<32xi32, #tpu.memory_space<hbm>>
      tpu.enqueue_dma source(%dma_start3A_57 : memref<32xi32, #tpu.memory_space<hbm>>) target(%arg5 : memref<32xi32, #tpu.memory_space<vmem>>) target_semaphore(%run_scoped3A : memref<!tpu.dma_semaphore, #tpu.memory_space<semaphore_mem>>)
      %dma_wait3A_58 = tpu.memref_slice %arg3[%add3A_13] : memref<2048xi32, #tpu.memory_space<hbm>> -> memref<32xi32, #tpu.memory_space<hbm>>
      %dma_wait3A_59 = tpu.memref_slice %arg3[%add3A_13] : memref<2048xi32, #tpu.memory_space<hbm>> -> memref<32xi32, #tpu.memory_space<hbm>>
      tpu.wait_dma2 semaphore(%run_scoped3A : memref<!tpu.dma_semaphore, #tpu.memory_space<semaphore_mem>>) src(%dma_wait3A_59 : memref<32xi32, #tpu.memory_space<hbm>>) dst(%arg5 : memref<32xi32, #tpu.memory_space<vmem>>)
      tpu.yield
    }) : () -> ()
    %scan3A_14 = arith.constant 0 : i32
    %scan3A_15 = arith.constant 2 : i32
    %scan3A_16 = arith.addi %scan3A_14, %scan3A_15 : i32
    %scan3A_17 = arith.constant 1 : i32
    scf.for %scan3A_56 = %scan3A_14 to %scan3A_16 step %scan3A_17  : i32 {
      %mul3A_57 = arith.constant 1 : i32
      %mul3A_58 = arith.muli %scan3A_56, %mul3A_57 : i32
      %add3A_59 = arith.constant 0 : i32
      %add3A_60 = arith.addi %add3A_59, %mul3A_58 : i32
      %mul3A_61 = arith.constant 16 : i32
      %mul3A_62 = arith.muli %add3A_60, %mul3A_61 : i32
      %get3A = arith.index_cast %mul3A_62 : i32 to index
      %get3A_63 = tpu.vector_load %arg5[%get3A] {strides = array<i32>} : memref<32xi32, #tpu.memory_space<vmem>>, vector<16xi32>,
      %and3A = arith.constant 65535 : i32
      %and3A_64 = vector.broadcast %and3A : i32 to vector<16xi32>
      %and3A_65 = arith.andi %get3A_63, %and3A_64 : vector<16xi32>
      %swap3A = arith.index_cast %mul3A_62 : i32 to index
      %swap3A_66 = tpu.vector_load %arg8[%swap3A] {strides = array<i32>} : memref<32xi32, #tpu.memory_space<vmem>>, vector<16xi32>,
      tpu.vector_store %arg8[%swap3A], %and3A_65 {strides = array<i32>} : memref<32xi32, #tpu.memory_space<vmem>>, vector<16xi32>,
      %shift_right_arithmetic3A = arith.constant 16 : i32
      %shift_right_arithmetic3A_67 = vector.broadcast %shift_right_arithmetic3A : i32 to vector<16xi32>
      %shift_right_arithmetic3A_68 = arith.shrsi %get3A_63, %shift_right_arithmetic3A_67 : vector<16xi32>
      %swap3A_69 = arith.index_cast %mul3A_62 : i32 to index
      %swap3A_70 = tpu.vector_load %arg9[%swap3A_69] {strides = array<i32>} : memref<32xi32, #tpu.memory_space<vmem>>, vector<16xi32>,
      tpu.vector_store %arg9[%swap3A_69], %shift_right_arithmetic3A_68 {strides = array<i32>} : memref<32xi32, #tpu.memory_space<vmem>>, vector<16xi32>,
    }
    %scan3A_18 = arith.constant 2 : i32
    %dma_start3A_19 = arith.constant 0 : i32
    %dma_start3A_20 = arith.constant 0 : i32
    %dma_start3A_21 = tpu.memref_slice %arg2[%dma_start3A_19, %dma_start3A_20] : memref<8192x384xi32, #tpu.memory_space<hbm>> -> memref<8192x384xi32, #tpu.memory_space<hbm>>
    tpu.enqueue_indirect_dma source(%dma_start3A_21 : memref<8192x384xi32, #tpu.memory_space<hbm>>) target(%arg12 : memref<32x384xi32, #tpu.memory_space<vmem>>) offsets(%arg8 : memref<32xi32, #tpu.memory_space<vmem>>) semaphore(%arg16 : memref<!tpu.dma_semaphore, #tpu.memory_space<semaphore_mem>>)
    %dma_start3A_22 = arith.constant 0 : i32
    %dma_start3A_23 = arith.constant 0 : i32
    %dma_start3A_24 = tpu.memref_slice %arg2[%dma_start3A_22, %dma_start3A_23] : memref<8192x384xi32, #tpu.memory_space<hbm>> -> memref<8192x384xi32, #tpu.memory_space<hbm>>
    tpu.enqueue_indirect_dma source(%dma_start3A_24 : memref<8192x384xi32, #tpu.memory_space<hbm>>) target(%arg13 : memref<32x384xi32, #tpu.memory_space<vmem>>) offsets(%arg9 : memref<32xi32, #tpu.memory_space<vmem>>) semaphore(%arg16 : memref<!tpu.dma_semaphore, #tpu.memory_space<semaphore_mem>>)
    %dma_wait3A = arith.constant 0 : i32
    %dma_wait3A_25 = arith.constant 0 : i32
    %dma_wait3A_26 = tpu.memref_slice %arg2[%dma_wait3A, %dma_wait3A_25] : memref<8192x384xi32, #tpu.memory_space<hbm>> -> memref<8192x384xi32, #tpu.memory_space<hbm>>
    tpu.wait_indirect_dma semaphore(%arg16 : memref<!tpu.dma_semaphore, #tpu.memory_space<semaphore_mem>>) src(%dma_wait3A_26 : memref<8192x384xi32, #tpu.memory_space<hbm>>) dst(%arg10 : memref<32x384xi32, #tpu.memory_space<vmem>>)
    %dma_wait3A_27 = arith.constant 0 : i32
    %dma_wait3A_28 = arith.constant 0 : i32
    %dma_wait3A_29 = tpu.memref_slice %arg2[%dma_wait3A_27, %dma_wait3A_28] : memref<8192x384xi32, #tpu.memory_space<hbm>> -> memref<8192x384xi32, #tpu.memory_space<hbm>>
    tpu.wait_indirect_dma semaphore(%arg16 : memref<!tpu.dma_semaphore, #tpu.memory_space<semaphore_mem>>) src(%dma_wait3A_29 : memref<8192x384xi32, #tpu.memory_space<hbm>>) dst(%arg11 : memref<32x384xi32, #tpu.memory_space<vmem>>)
    %scan3A_30 = arith.constant 0 : i32
    %scan3A_31 = arith.constant 32 : i32
    %scan3A_32 = arith.addi %scan3A_30, %scan3A_31 : i32
    %scan3A_33 = arith.constant 1 : i32
    scf.for %scan3A_56 = %scan3A_30 to %scan3A_32 step %scan3A_33  : i32 {
      %mul3A_57 = arith.constant 1 : i32
      %mul3A_58 = arith.muli %scan3A_56, %mul3A_57 : i32
      %add3A_59 = arith.constant 0 : i32
      %add3A_60 = arith.addi %add3A_59, %mul3A_58 : i32
      %parallel_loop3A = arith.constant 0 : i32
      %parallel_loop3A_61 = arith.constant 24 : i32
      %parallel_loop3A_62 = arith.constant 1 : i32
      scf.for %parallel_loop3A_63 = %parallel_loop3A to %parallel_loop3A_61 step %parallel_loop3A_62  : i32 {
        %parallel_loop3A_64 = arith.constant 16 : i32
        %parallel_loop3A_65 = arith.muli %parallel_loop3A_63, %parallel_loop3A_64 : i32
        %parallel_loop3A_66 = arith.constant 16 : i32
        %parallel_loop3A_67 = arith.muli %parallel_loop3A_63, %parallel_loop3A_66 : i32
        %parallel_loop3A_68 = arith.constant 384 : i32
        %parallel_loop3A_69 = arith.addi %parallel_loop3A_68, %parallel_loop3A_67 : i32
        %parallel_loop3A_70 = arith.index_cast %add3A_60 : i32 to index
        %parallel_loop3A_71 = arith.index_cast %parallel_loop3A_65 : i32 to index
        %parallel_loop3A_72 = tpu.vector_load %arg10[%parallel_loop3A_70, %parallel_loop3A_71] {strides = array<i32>} : memref<32x384xi32, #tpu.memory_space<vmem>>, vector<16xi32>,
        %parallel_loop3A_73 = arith.index_cast %add3A_60 : i32 to index
        %parallel_loop3A_74 = arith.index_cast %parallel_loop3A_65 : i32 to index
        %parallel_loop3A_75 = tpu.vector_load %arg11[%parallel_loop3A_73, %parallel_loop3A_74] {strides = array<i32>} : memref<32x384xi32, #tpu.memory_space<vmem>>, vector<16xi32>,
        %parallel_loop3A_76 = arith.constant -65536 : i32
        %parallel_loop3A_77 = vector.broadcast %parallel_loop3A_76 : i32 to vector<16xi32>
        %parallel_loop3A_78 = arith.andi %parallel_loop3A_72, %parallel_loop3A_77 : vector<16xi32>
        %parallel_loop3A_79 = vector.bitcast %parallel_loop3A_78 : vector<16xi32> to vector<16xf32>
        %parallel_loop3A_80 = arith.constant -65536 : i32
        %parallel_loop3A_81 = vector.broadcast %parallel_loop3A_80 : i32 to vector<16xi32>
        %parallel_loop3A_82 = arith.andi %parallel_loop3A_75, %parallel_loop3A_81 : vector<16xi32>
        %parallel_loop3A_83 = vector.bitcast %parallel_loop3A_82 : vector<16xi32> to vector<16xf32>
        %parallel_loop3A_84 = arith.constant 16 : i32
        %parallel_loop3A_85 = vector.broadcast %parallel_loop3A_84 : i32 to vector<16xi32>
        %parallel_loop3A_86 = arith.shli %parallel_loop3A_72, %parallel_loop3A_85 : vector<16xi32>
        %parallel_loop3A_87 = vector.bitcast %parallel_loop3A_86 : vector<16xi32> to vector<16xf32>
        %parallel_loop3A_88 = arith.constant 16 : i32
        %parallel_loop3A_89 = vector.broadcast %parallel_loop3A_88 : i32 to vector<16xi32>
        %parallel_loop3A_90 = arith.shli %parallel_loop3A_75, %parallel_loop3A_89 : vector<16xi32>
        %parallel_loop3A_91 = vector.bitcast %parallel_loop3A_90 : vector<16xi32> to vector<16xf32>
        %parallel_loop3A_92 = arith.addf %parallel_loop3A_79, %parallel_loop3A_83 : vector<16xf32>
        %parallel_loop3A_93 = arith.index_cast %add3A_60 : i32 to index
        %parallel_loop3A_94 = arith.index_cast %parallel_loop3A_65 : i32 to index
        %parallel_loop3A_95 = tpu.vector_load %arg14[%parallel_loop3A_93, %parallel_loop3A_94] {strides = array<i32>} : memref<32x768xf32, #tpu.memory_space<vmem>>, vector<16xf32>,
        tpu.vector_store %arg14[%parallel_loop3A_93, %parallel_loop3A_94], %parallel_loop3A_92 {strides = array<i32>} : memref<32x768xf32, #tpu.memory_space<vmem>>, vector<16xf32>,
        %parallel_loop3A_96 = arith.addf %parallel_loop3A_87, %parallel_loop3A_91 : vector<16xf32>
        %parallel_loop3A_97 = arith.index_cast %add3A_60 : i32 to index
        %parallel_loop3A_98 = arith.index_cast %parallel_loop3A_69 : i32 to index
        %parallel_loop3A_99 = tpu.vector_load %arg14[%parallel_loop3A_97, %parallel_loop3A_98] {strides = array<i32>} : memref<32x768xf32, #tpu.memory_space<vmem>>, vector<16xf32>,
        tpu.vector_store %arg14[%parallel_loop3A_97, %parallel_loop3A_98], %parallel_loop3A_96 {strides = array<i32>} : memref<32x768xf32, #tpu.memory_space<vmem>>, vector<16xf32>,
      } {sc.loop_unroll_factor = 4 : i64, sc.parallel_access}
    }
    %scan3A_34 = arith.constant 32 : i32
    %dma_start3A_35 = arith.constant 0 : i32
    %dma_start3A_36 = tpu.memref_slice %arg4[%mul3A_2, %dma_start3A_35] : memref<2048x768xf32, #tpu.memory_space<hbm>> -> memref<32x768xf32, #tpu.memory_space<hbm>>
    %dma_start3A_37 = arith.constant 0 : i32
    %dma_start3A_38 = tpu.memref_slice %arg4[%mul3A_2, %dma_start3A_37] : memref<2048x768xf32, #tpu.memory_space<hbm>> -> memref<32x768xf32, #tpu.memory_space<hbm>>
    tpu.enqueue_dma source(%arg14 : memref<32x768xf32, #tpu.memory_space<vmem>>) target(%dma_start3A_38 : memref<32x768xf32, #tpu.memory_space<hbm>>) target_semaphore(%arg17 : memref<!tpu.dma_semaphore, #tpu.memory_space<semaphore_mem>>)
    %dma_wait3A_39 = arith.constant 0 : i32
    %dma_wait3A_40 = arith.constant 0 : i32
    %dma_wait3A_41 = tpu.memref_slice %arg2[%dma_wait3A_39, %dma_wait3A_40] : memref<8192x384xi32, #tpu.memory_space<hbm>> -> memref<8192x384xi32, #tpu.memory_space<hbm>>
    tpu.wait_indirect_dma semaphore(%arg16 : memref<!tpu.dma_semaphore, #tpu.memory_space<semaphore_mem>>) src(%dma_wait3A_41 : memref<8192x384xi32, #tpu.memory_space<hbm>>) dst(%arg12 : memref<32x384xi32, #tpu.memory_space<vmem>>)
    %dma_wait3A_42 = arith.constant 0 : i32
    %dma_wait3A_43 = arith.constant 0 : i32
    %dma_wait3A_44 = tpu.memref_slice %arg2[%dma_wait3A_42, %dma_wait3A_43] : memref<8192x384xi32, #tpu.memory_space<hbm>> -> memref<8192x384xi32, #tpu.memory_space<hbm>>
    tpu.wait_indirect_dma semaphore(%arg16 : memref<!tpu.dma_semaphore, #tpu.memory_space<semaphore_mem>>) src(%dma_wait3A_44 : memref<8192x384xi32, #tpu.memory_space<hbm>>) dst(%arg13 : memref<32x384xi32, #tpu.memory_space<vmem>>)
    %scan3A_45 = arith.constant 0 : i32
    %scan3A_46 = arith.constant 32 : i32
    %scan3A_47 = arith.addi %scan3A_45, %scan3A_46 : i32
    %scan3A_48 = arith.constant 1 : i32
    scf.for %scan3A_56 = %scan3A_45 to %scan3A_47 step %scan3A_48  : i32 {
      %mul3A_57 = arith.constant 1 : i32
      %mul3A_58 = arith.muli %scan3A_56, %mul3A_57 : i32
      %add3A_59 = arith.constant 0 : i32
      %add3A_60 = arith.addi %add3A_59, %mul3A_58 : i32
      %parallel_loop3A = arith.constant 0 : i32
      %parallel_loop3A_61 = arith.constant 24 : i32
      %parallel_loop3A_62 = arith.constant 1 : i32
      scf.for %parallel_loop3A_63 = %parallel_loop3A to %parallel_loop3A_61 step %parallel_loop3A_62  : i32 {
        %parallel_loop3A_64 = arith.constant 16 : i32
        %parallel_loop3A_65 = arith.muli %parallel_loop3A_63, %parallel_loop3A_64 : i32
        %parallel_loop3A_66 = arith.constant 16 : i32
        %parallel_loop3A_67 = arith.muli %parallel_loop3A_63, %parallel_loop3A_66 : i32
        %parallel_loop3A_68 = arith.constant 384 : i32
        %parallel_loop3A_69 = arith.addi %parallel_loop3A_68, %parallel_loop3A_67 : i32
        %parallel_loop3A_70 = arith.index_cast %add3A_60 : i32 to index
        %parallel_loop3A_71 = arith.index_cast %parallel_loop3A_65 : i32 to index
        %parallel_loop3A_72 = tpu.vector_load %arg12[%parallel_loop3A_70, %parallel_loop3A_71] {strides = array<i32>} : memref<32x384xi32, #tpu.memory_space<vmem>>, vector<16xi32>,
        %parallel_loop3A_73 = arith.index_cast %add3A_60 : i32 to index
        %parallel_loop3A_74 = arith.index_cast %parallel_loop3A_65 : i32 to index
        %parallel_loop3A_75 = tpu.vector_load %arg13[%parallel_loop3A_73, %parallel_loop3A_74] {strides = array<i32>} : memref<32x384xi32, #tpu.memory_space<vmem>>, vector<16xi32>,
        %parallel_loop3A_76 = arith.constant -65536 : i32
        %parallel_loop3A_77 = vector.broadcast %parallel_loop3A_76 : i32 to vector<16xi32>
        %parallel_loop3A_78 = arith.andi %parallel_loop3A_72, %parallel_loop3A_77 : vector<16xi32>
        %parallel_loop3A_79 = vector.bitcast %parallel_loop3A_78 : vector<16xi32> to vector<16xf32>
        %parallel_loop3A_80 = arith.constant -65536 : i32
        %parallel_loop3A_81 = vector.broadcast %parallel_loop3A_80 : i32 to vector<16xi32>
        %parallel_loop3A_82 = arith.andi %parallel_loop3A_75, %parallel_loop3A_81 : vector<16xi32>
        %parallel_loop3A_83 = vector.bitcast %parallel_loop3A_82 : vector<16xi32> to vector<16xf32>
        %parallel_loop3A_84 = arith.constant 16 : i32
        %parallel_loop3A_85 = vector.broadcast %parallel_loop3A_84 : i32 to vector<16xi32>
        %parallel_loop3A_86 = arith.shli %parallel_loop3A_72, %parallel_loop3A_85 : vector<16xi32>
        %parallel_loop3A_87 = vector.bitcast %parallel_loop3A_86 : vector<16xi32> to vector<16xf32>
        %parallel_loop3A_88 = arith.constant 16 : i32
        %parallel_loop3A_89 = vector.broadcast %parallel_loop3A_88 : i32 to vector<16xi32>
        %parallel_loop3A_90 = arith.shli %parallel_loop3A_75, %parallel_loop3A_89 : vector<16xi32>
        %parallel_loop3A_91 = vector.bitcast %parallel_loop3A_90 : vector<16xi32> to vector<16xf32>
        %parallel_loop3A_92 = arith.addf %parallel_loop3A_79, %parallel_loop3A_83 : vector<16xf32>
        %parallel_loop3A_93 = arith.index_cast %add3A_60 : i32 to index
        %parallel_loop3A_94 = arith.index_cast %parallel_loop3A_65 : i32 to index
        %parallel_loop3A_95 = tpu.vector_load %arg15[%parallel_loop3A_93, %parallel_loop3A_94] {strides = array<i32>} : memref<32x768xf32, #tpu.memory_space<vmem>>, vector<16xf32>,
        tpu.vector_store %arg15[%parallel_loop3A_93, %parallel_loop3A_94], %parallel_loop3A_92 {strides = array<i32>} : memref<32x768xf32, #tpu.memory_space<vmem>>, vector<16xf32>,
        %parallel_loop3A_96 = arith.addf %parallel_loop3A_87, %parallel_loop3A_91 : vector<16xf32>
        %parallel_loop3A_97 = arith.index_cast %add3A_60 : i32 to index
        %parallel_loop3A_98 = arith.index_cast %parallel_loop3A_69 : i32 to index
        %parallel_loop3A_99 = tpu.vector_load %arg15[%parallel_loop3A_97, %parallel_loop3A_98] {strides = array<i32>} : memref<32x768xf32, #tpu.memory_space<vmem>>, vector<16xf32>,
        tpu.vector_store %arg15[%parallel_loop3A_97, %parallel_loop3A_98], %parallel_loop3A_96 {strides = array<i32>} : memref<32x768xf32, #tpu.memory_space<vmem>>, vector<16xf32>,
      } {sc.loop_unroll_factor = 4 : i64, sc.parallel_access}
    }
    %scan3A_49 = arith.constant 32 : i32
    %dma_wait3A_50 = arith.constant 0 : i32
    %dma_wait3A_51 = tpu.memref_slice %arg4[%mul3A_2, %dma_wait3A_50] : memref<2048x768xf32, #tpu.memory_space<hbm>> -> memref<32x768xf32, #tpu.memory_space<hbm>>
    %dma_wait3A_52 = arith.constant 0 : i32
    %dma_wait3A_53 = tpu.memref_slice %arg4[%mul3A_2, %dma_wait3A_52] : memref<2048x768xf32, #tpu.memory_space<hbm>> -> memref<32x768xf32, #tpu.memory_space<hbm>>
    tpu.wait_dma2 semaphore(%arg17 : memref<!tpu.dma_semaphore, #tpu.memory_space<semaphore_mem>>) src(%arg14 : memref<32x768xf32, #tpu.memory_space<vmem>>) dst(%dma_wait3A_53 : memref<32x768xf32, #tpu.memory_space<hbm>>)
    %add3A_54 = arith.constant 32 : i32
    %add3A_55 = arith.addi %mul3A_2, %add3A_54 : i32
    "tpu.region"() ({
      %run_scoped3A = tpu.sem_alloc : memref<!tpu.dma_semaphore, #tpu.memory_space<semaphore_mem>>
      %dma_start3A_56 = arith.constant 0 : i32
      %dma_start3A_57 = tpu.memref_slice %arg4[%add3A_55, %dma_start3A_56] : memref<2048x768xf32, #tpu.memory_space<hbm>> -> memref<32x768xf32, #tpu.memory_space<hbm>>
      %dma_start3A_58 = arith.constant 0 : i32
      %dma_start3A_59 = tpu.memref_slice %arg4[%add3A_55, %dma_start3A_58] : memref<2048x768xf32, #tpu.memory_space<hbm>> -> memref<32x768xf32, #tpu.memory_space<hbm>>
      tpu.enqueue_dma source(%arg15 : memref<32x768xf32, #tpu.memory_space<vmem>>) target(%dma_start3A_59 : memref<32x768xf32, #tpu.memory_space<hbm>>) target_semaphore(%run_scoped3A : memref<!tpu.dma_semaphore, #tpu.memory_space<semaphore_mem>>)
      %dma_wait3A_60 = arith.constant 0 : i32
      %dma_wait3A_61 = tpu.memref_slice %arg4[%add3A_55, %dma_wait3A_60] : memref<2048x768xf32, #tpu.memory_space<hbm>> -> memref<32x768xf32, #tpu.memory_space<hbm>>
      %dma_wait3A_62 = arith.constant 0 : i32
      %dma_wait3A_63 = tpu.memref_slice %arg4[%add3A_55, %dma_wait3A_62] : memref<2048x768xf32, #tpu.memory_space<hbm>> -> memref<32x768xf32, #tpu.memory_space<hbm>>
      tpu.wait_dma2 semaphore(%run_scoped3A : memref<!tpu.dma_semaphore, #tpu.memory_space<semaphore_mem>>) src(%arg15 : memref<32x768xf32, #tpu.memory_space<vmem>>) dst(%dma_wait3A_63 : memref<32x768xf32, #tpu.memory_space<hbm>>)
      tpu.yield
    }) : () -> ()
    return
  }
}

module attributes {stable_mosaic.version = 14 : i64} {
  func.func @_gemm_body(%arg0: i32, %arg1: memref<128xi32, #tpu.memory_space<smem>>, %arg2: memref<512x384xi32, #tpu.memory_space<vmem>>, %arg3: memref<512x128xf32, #tpu.memory_space<vmem>>, %arg4: memref<1x768x1024xf32, #tpu.memory_space<vmem>>, %arg5: memref<1x512x768xf32, #tpu.memory_space<vmem>>, %arg6: memref<512x384xi32, #tpu.memory_space<vmem>>) attributes {dimension_semantics = [#tpu.dimension_semantics<arbitrary>], iteration_bounds = array<i64: 16>, scalar_prefetch = 1 : i64, scratch_operands = 0 : i64, tpu.core_type = #tpu.core_type<tc>, window_params = [{transform_indices = @transform_0, window_bounds = array<i64: 512, 384>}, {transform_indices = @transform_1, window_bounds = array<i64: 512, 128>}, {transform_indices = @transform_2, window_bounds = array<i64: 1, 768, 1024>}, {transform_indices = @transform_3, window_bounds = array<i64: 1, 512, 768>}, {transform_indices = @transform_4, window_bounds = array<i64: 512, 384>}]} {
    %get3A = arith.constant 16 : index
    %get3A_0 = memref.load %arg1[%get3A] : memref<128xi32, #tpu.memory_space<smem>>
    %lt3A = arith.cmpi slt, %arg0, %get3A_0 : i32
    %convert_element_type3A = arith.extui %lt3A : i1 to i32
    %cond3A = arith.constant 0 : i32
    %cond3A_1 = arith.cmpi ne, %convert_element_type3A, %cond3A : i32
    scf.if %cond3A_1 {
      %get3A_2 = arith.constant 0 : index
      %get3A_3 = arith.constant 0 : index
      %get3A_4 = vector.load %arg2[%get3A_2, %get3A_3] : memref<512x384xi32, #tpu.memory_space<vmem>>, vector<512x384xi32>
      %bitcast_convert_type3A = tpu.bitcast %get3A_4 : vector<512x384xi32> -> vector<512x384xi32>
      %shift_right_logical3A = arith.constant 16 : i32
      %shift_right_logical3A_5 = vector.broadcast %shift_right_logical3A : i32 to vector<512x384xi32>
      %shift_right_logical3A_6 = arith.shrui %bitcast_convert_type3A, %shift_right_logical3A_5 : vector<512x384xi32>
      %convert_element_type3A_7 = arith.trunci %shift_right_logical3A_6 : vector<512x384xi32> to vector<512x384xi16>
      %bitcast_convert_type3A_8 = tpu.bitcast %convert_element_type3A_7 : vector<512x384xi16> -> vector<512x384xbf16>
      %convert_element_type3A_9 = arith.trunci %bitcast_convert_type3A : vector<512x384xi32> to vector<512x384xi16>
      %bitcast_convert_type3A_10 = tpu.bitcast %convert_element_type3A_9 : vector<512x384xi16> -> vector<512x384xbf16>
      %concatenate3A = tpu.concatenate %bitcast_convert_type3A_8, %bitcast_convert_type3A_10 in 1 : vector<512x384xbf16>, vector<512x384xbf16> -> vector<512x768xbf16>
      %get3A_11 = arith.constant 0 : index
      %get3A_12 = arith.constant 0 : index
      %get3A_13 = arith.constant 0 : index
      %get3A_14 = vector.load %arg4[%get3A_11, %get3A_12, %get3A_13] : memref<1x768x1024xf32, #tpu.memory_space<vmem>>, vector<1x768x1024xf32>
      %get3A_15 = vector.shape_cast %get3A_14 : vector<1x768x1024xf32> to vector<768x1024xf32>
      %convert_element_type3A_16 = arith.truncf %get3A_15 : vector<768x1024xf32> to vector<768x1024xbf16>
      %dot_general3A = arith.constant dense<0.000000e+00> : vector<512x1024xf32>
      %dot_general3A_17 = tpu.matmul %concatenate3A, %convert_element_type3A_16, %dot_general3A {dimension_numbers = #tpu.dot_dimension_numbers<[1], [0], [0], [1], [0, 0, 1, 1], [], []>, transpose_lhs_hint = false} : vector<512x768xbf16>, vector<768x1024xbf16>, vector<512x1024xf32> -> vector<512x1024xf32>
      %slice3A = vector.extract_strided_slice %dot_general3A_17 {offsets = [0, 0], sizes = [512, 512], strides = [1, 1]} : vector<512x1024xf32> to vector<512x512xf32>
      %slice3A_18 = vector.extract_strided_slice %dot_general3A_17 {offsets = [0, 512], sizes = [512, 512], strides = [1, 1]} : vector<512x1024xf32> to vector<512x512xf32>
      %neg3A = arith.constant 0.000000e+00 : f32
      %neg3A_19 = vector.broadcast %neg3A : f32 to vector<512x512xf32>
      %neg3A_20 = arith.subf %neg3A_19, %slice3A : vector<512x512xf32>
      %exp3A = math.exp %neg3A_20 : vector<512x512xf32>
      %add3A = arith.constant 1.000000e+00 : f32
      %add3A_21 = vector.broadcast %add3A : f32 to vector<512x512xf32>
      %add3A_22 = arith.addf %add3A_21, %exp3A : vector<512x512xf32>
      %div3A = arith.constant 1.000000e+00 : f32
      %div3A_23 = vector.broadcast %div3A : f32 to vector<512x512xf32>
      %div3A_24 = arith.divf %div3A_23, %add3A_22 : vector<512x512xf32>
      %mul3A = arith.mulf %slice3A, %div3A_24 : vector<512x512xf32>
      %mul3A_25 = arith.mulf %mul3A, %slice3A_18 : vector<512x512xf32>
      %get3A_26 = arith.constant 0 : index
      %get3A_27 = arith.constant 0 : index
      %get3A_28 = vector.load %arg3[%get3A_26, %get3A_27] : memref<512x128xf32, #tpu.memory_space<vmem>>, vector<512x128xf32>
      %slice3A_29 = vector.extract_strided_slice %get3A_28 {offsets = [0, 0], sizes = [512, 1], strides = [1, 1]} : vector<512x128xf32> to vector<512x1xf32>
      %mul3A_30 = vector.broadcast %slice3A_29 : vector<512x1xf32> to vector<512x512xf32>
      %mul3A_31 = arith.mulf %mul3A_25, %mul3A_30 : vector<512x512xf32>
      %get3A_32 = arith.constant 0 : index
      %get3A_33 = arith.constant 0 : index
      %get3A_34 = arith.constant 0 : index
      %get3A_35 = vector.load %arg5[%get3A_32, %get3A_33, %get3A_34] : memref<1x512x768xf32, #tpu.memory_space<vmem>>, vector<1x512x768xf32>
      %get3A_36 = vector.shape_cast %get3A_35 : vector<1x512x768xf32> to vector<512x768xf32>
      %convert_element_type3A_37 = arith.truncf %get3A_36 : vector<512x768xf32> to vector<512x768xbf16>
      %convert_element_type3A_38 = arith.truncf %mul3A_31 : vector<512x512xf32> to vector<512x512xbf16>
      %dot_general3A_39 = arith.constant dense<0.000000e+00> : vector<512x768xf32>
      %dot_general3A_40 = tpu.matmul %convert_element_type3A_38, %convert_element_type3A_37, %dot_general3A_39 {dimension_numbers = #tpu.dot_dimension_numbers<[1], [0], [0], [1], [0, 0, 1, 1], [], []>, transpose_lhs_hint = false} : vector<512x512xbf16>, vector<512x768xbf16>, vector<512x768xf32> -> vector<512x768xf32>
      %convert_element_type3A_41 = arith.truncf %dot_general3A_40 : vector<512x768xf32> to vector<512x768xbf16>
      %slice3A_42 = vector.extract_strided_slice %convert_element_type3A_41 {offsets = [0, 0], sizes = [512, 384], strides = [1, 1]} : vector<512x768xbf16> to vector<512x384xbf16>
      %bitcast_convert_type3A_43 = tpu.bitcast %slice3A_42 : vector<512x384xbf16> -> vector<512x384xi16>
      %slice3A_44 = vector.extract_strided_slice %convert_element_type3A_41 {offsets = [0, 384], sizes = [512, 384], strides = [1, 1]} : vector<512x768xbf16> to vector<512x384xbf16>
      %bitcast_convert_type3A_45 = tpu.bitcast %slice3A_44 : vector<512x384xbf16> -> vector<512x384xi16>
      %convert_element_type3A_46 = arith.extui %bitcast_convert_type3A_43 : vector<512x384xi16> to vector<512x384xi32>
      %shift_left3A = arith.constant 16 : i32
      %shift_left3A_47 = vector.broadcast %shift_left3A : i32 to vector<512x384xi32>
      %shift_left3A_48 = arith.shli %convert_element_type3A_46, %shift_left3A_47 : vector<512x384xi32>
      %convert_element_type3A_49 = arith.extui %bitcast_convert_type3A_45 : vector<512x384xi16> to vector<512x384xi32>
      %or3A = arith.ori %shift_left3A_48, %convert_element_type3A_49 : vector<512x384xi32>
      %bitcast_convert_type3A_50 = tpu.bitcast %or3A : vector<512x384xi32> -> vector<512x384xi32>
      %swap3A = arith.constant 0 : index
      %swap3A_51 = arith.constant 0 : index
      %swap3A_52 = vector.load %arg6[%swap3A, %swap3A_51] : memref<512x384xi32, #tpu.memory_space<vmem>>, vector<512x384xi32>
      tpu.vector_store %arg6[%swap3A, %swap3A_51], %bitcast_convert_type3A_50 {strides = array<i32>} : memref<512x384xi32, #tpu.memory_space<vmem>>, vector<512x384xi32>,
    } else {
    }
    return
  }
  func.func @transform_0(%arg0: i32, %arg1: memref<128xi32, #tpu.memory_space<smem>>) -> (i32, i32) {
    %get3A = arith.constant 16 : index
    %get3A_0 = memref.load %arg1[%get3A] : memref<128xi32, #tpu.memory_space<smem>>
    %sub3A = arith.constant 1 : i32
    %sub3A_1 = arith.subi %get3A_0, %sub3A : i32
    %min3A = arith.minsi %arg0, %sub3A_1 : i32
    %c0_i32 = arith.constant 0 : i32
    %c0_i32_2 = arith.constant 0 : i32
    return %min3A, %c0_i32 : i32, i32
  }
  func.func @transform_1(%arg0: i32, %arg1: memref<128xi32, #tpu.memory_space<smem>>) -> (i32, i32) {
    %get3A = arith.constant 16 : index
    %get3A_0 = memref.load %arg1[%get3A] : memref<128xi32, #tpu.memory_space<smem>>
    %sub3A = arith.constant 1 : i32
    %sub3A_1 = arith.subi %get3A_0, %sub3A : i32
    %min3A = arith.minsi %arg0, %sub3A_1 : i32
    %c0_i32 = arith.constant 0 : i32
    %c0_i32_2 = arith.constant 0 : i32
    return %min3A, %c0_i32 : i32, i32
  }
  func.func @transform_2(%arg0: i32, %arg1: memref<128xi32, #tpu.memory_space<smem>>) -> (i32, i32, i32) {
    %get3A = arith.index_cast %arg0 : i32 to index
    %get3A_0 = memref.load %arg1[%get3A] : memref<128xi32, #tpu.memory_space<smem>>
    %c0_i32 = arith.constant 0 : i32
    %c0_i32_1 = arith.constant 0 : i32
    %c0_i32_2 = arith.constant 0 : i32
    return %get3A_0, %c0_i32, %c0_i32_1 : i32, i32, i32
  }
  func.func @transform_3(%arg0: i32, %arg1: memref<128xi32, #tpu.memory_space<smem>>) -> (i32, i32, i32) {
    %get3A = arith.index_cast %arg0 : i32 to index
    %get3A_0 = memref.load %arg1[%get3A] : memref<128xi32, #tpu.memory_space<smem>>
    %c0_i32 = arith.constant 0 : i32
    %c0_i32_1 = arith.constant 0 : i32
    %c0_i32_2 = arith.constant 0 : i32
    return %get3A_0, %c0_i32, %c0_i32_1 : i32, i32, i32
  }
  func.func @transform_4(%arg0: i32, %arg1: memref<128xi32, #tpu.memory_space<smem>>) -> (i32, i32) {
    %c0_i32 = arith.constant 0 : i32
    %c0_i32_0 = arith.constant 0 : i32
    return %arg0, %c0_i32 : i32, i32
  }
}

module attributes {stable_mosaic.version = 14 : i64} {
  func.func @_gate_route_body(%arg0: memref<2048x768xf32, #tpu.memory_space<vmem>>, %arg1: memref<8x768xf32, #tpu.memory_space<vmem>>, %arg2: memref<16x128xi32, #tpu.memory_space<vmem>>, %arg3: memref<1x128xi32, #tpu.memory_space<vmem>>, %arg4: memref<2048x128xf32, #tpu.memory_space<vmem>>, %arg5: memref<2048x128xf32, #tpu.memory_space<vmem>>, %arg6: memref<2048x384xi32, #tpu.memory_space<vmem>>) attributes {dimension_semantics = [], scalar_prefetch = 0 : i64, scratch_operands = 0 : i64, tpu.core_type = #tpu.core_type<tc>} {
    %get3A = arith.constant 0 : index
    %get3A_0 = arith.constant 0 : index
    %get3A_1 = vector.load %arg0[%get3A, %get3A_0] : memref<2048x768xf32, #tpu.memory_space<vmem>>, vector<2048x768xf32>
    %get3A_2 = arith.constant 0 : index
    %get3A_3 = arith.constant 0 : index
    %get3A_4 = vector.load %arg1[%get3A_2, %get3A_3] : memref<8x768xf32, #tpu.memory_space<vmem>>, vector<8x768xf32>
    %dot_general3A = arith.constant dense<0.000000e+00> : vector<2048x8xf32>
    %dot_general3A_5 = tpu.matmul %get3A_1, %get3A_4, %dot_general3A {dimension_numbers = #tpu.dot_dimension_numbers<[1], [1], [0], [0], [0, 0, 1, 0], [], []>, transpose_lhs_hint = false} : vector<2048x768xf32>, vector<8x768xf32>, vector<2048x8xf32> -> vector<2048x8xf32>
    %reduce_max3A = arith.constant dense<0xFF800000> : vector<2048xf32>
    %reduce_max3A_6 = vector.multi_reduction <maximumf>, %dot_general3A_5, %reduce_max3A [1] : vector<2048x8xf32> to vector<2048xf32>
    %broadcast_in_dim3A = vector.shape_cast %reduce_max3A_6 : vector<2048xf32> to vector<2048x1xf32>
    %eq3A = vector.broadcast %broadcast_in_dim3A : vector<2048x1xf32> to vector<2048x8xf32>
    %eq3A_7 = arith.cmpf oeq, %dot_general3A_5, %eq3A : vector<2048x8xf32>
    %convert_element_type3A = arith.extui %eq3A_7 : vector<2048x8xi1> to vector<2048x8xi32>
    %convert_element_type3A_8 = arith.sitofp %convert_element_type3A : vector<2048x8xi32> to vector<2048x8xf32>
    %iota3A = tpu.iota {dimensions = array<i32: 0>} : vector<8x8xi32>
    %iota3A_9 = tpu.iota {dimensions = array<i32: 1>} : vector<8x8xi32>
    %le3A = arith.cmpi sle, %iota3A, %iota3A_9 : vector<8x8xi32>
    %convert_element_type3A_10 = arith.extui %le3A : vector<8x8xi1> to vector<8x8xi32>
    %convert_element_type3A_11 = arith.sitofp %convert_element_type3A_10 : vector<8x8xi32> to vector<8x8xf32>
    %dot_general3A_12 = arith.constant dense<0.000000e+00> : vector<2048x8xf32>
    %dot_general3A_13 = tpu.matmul %convert_element_type3A_8, %convert_element_type3A_11, %dot_general3A_12 {dimension_numbers = #tpu.dot_dimension_numbers<[1], [0], [0], [1], [0, 0, 1, 1], [], []>, precision = #tpu.contract_precision<fp32>, transpose_lhs_hint = false} : vector<2048x8xf32>, vector<8x8xf32>, vector<2048x8xf32> -> vector<2048x8xf32>
    %eq3A_14 = arith.constant 1.000000e+00 : f32
    %eq3A_15 = vector.broadcast %eq3A_14 : f32 to vector<2048x8xf32>
    %eq3A_16 = arith.cmpf oeq, %dot_general3A_13, %eq3A_15 : vector<2048x8xf32>
    %convert_element_type3A_17 = arith.extui %eq3A_16 : vector<2048x8xi1> to vector<2048x8xi32>
    %convert_element_type3A_18 = arith.sitofp %convert_element_type3A_17 : vector<2048x8xi32> to vector<2048x8xf32>
    %mul3A = arith.mulf %convert_element_type3A_8, %convert_element_type3A_18 : vector<2048x8xf32>
    %mul3A_19 = arith.constant 1.000000e+30 : f32
    %mul3A_20 = vector.broadcast %mul3A_19 : f32 to vector<2048x8xf32>
    %mul3A_21 = arith.mulf %mul3A, %mul3A_20 : vector<2048x8xf32>
    %sub3A = arith.subf %dot_general3A_5, %mul3A_21 : vector<2048x8xf32>
    %reduce_max3A_22 = arith.constant dense<0xFF800000> : vector<2048xf32>
    %reduce_max3A_23 = vector.multi_reduction <maximumf>, %sub3A, %reduce_max3A_22 [1] : vector<2048x8xf32> to vector<2048xf32>
    %broadcast_in_dim3A_24 = vector.shape_cast %reduce_max3A_23 : vector<2048xf32> to vector<2048x1xf32>
    %eq3A_25 = vector.broadcast %broadcast_in_dim3A_24 : vector<2048x1xf32> to vector<2048x8xf32>
    %eq3A_26 = arith.cmpf oeq, %sub3A, %eq3A_25 : vector<2048x8xf32>
    %convert_element_type3A_27 = arith.extui %eq3A_26 : vector<2048x8xi1> to vector<2048x8xi32>
    %convert_element_type3A_28 = arith.sitofp %convert_element_type3A_27 : vector<2048x8xi32> to vector<2048x8xf32>
    %dot_general3A_29 = arith.constant dense<0.000000e+00> : vector<2048x8xf32>
    %dot_general3A_30 = tpu.matmul %convert_element_type3A_28, %convert_element_type3A_11, %dot_general3A_29 {dimension_numbers = #tpu.dot_dimension_numbers<[1], [0], [0], [1], [0, 0, 1, 1], [], []>, precision = #tpu.contract_precision<fp32>, transpose_lhs_hint = false} : vector<2048x8xf32>, vector<8x8xf32>, vector<2048x8xf32> -> vector<2048x8xf32>
    %eq3A_31 = arith.constant 1.000000e+00 : f32
    %eq3A_32 = vector.broadcast %eq3A_31 : f32 to vector<2048x8xf32>
    %eq3A_33 = arith.cmpf oeq, %dot_general3A_30, %eq3A_32 : vector<2048x8xf32>
    %convert_element_type3A_34 = arith.extui %eq3A_33 : vector<2048x8xi1> to vector<2048x8xi32>
    %convert_element_type3A_35 = arith.sitofp %convert_element_type3A_34 : vector<2048x8xi32> to vector<2048x8xf32>
    %mul3A_36 = arith.mulf %convert_element_type3A_28, %convert_element_type3A_35 : vector<2048x8xf32>
    %sub3A_37 = arith.subf %broadcast_in_dim3A_24, %broadcast_in_dim3A : vector<2048x1xf32>
    %exp3A = math.exp %sub3A_37 : vector<2048x1xf32>
    %add3A = arith.constant 1.000000e+00 : f32
    %add3A_38 = vector.broadcast %add3A : f32 to vector<2048x1xf32>
    %add3A_39 = arith.addf %add3A_38, %exp3A : vector<2048x1xf32>
    %div3A = arith.constant 1.000000e+00 : f32
    %div3A_40 = vector.broadcast %div3A : f32 to vector<2048x1xf32>
    %div3A_41 = arith.divf %div3A_40, %add3A_39 : vector<2048x1xf32>
    %sub3A_42 = arith.constant 1.000000e+00 : f32
    %sub3A_43 = vector.broadcast %sub3A_42 : f32 to vector<2048x1xf32>
    %sub3A_44 = arith.subf %sub3A_43, %div3A_41 : vector<2048x1xf32>
    %concatenate3A = tpu.concatenate %mul3A, %mul3A_36 in 1 : vector<2048x8xf32>, vector<2048x8xf32> -> vector<2048x16xf32>
    %iota3A_45 = tpu.iota {dimensions = array<i32: 0>} : vector<512x512xi32>
    %iota3A_46 = tpu.iota {dimensions = array<i32: 1>} : vector<512x512xi32>
    %lt3A = arith.cmpi slt, %iota3A_46, %iota3A_45 : vector<512x512xi32>
    %convert_element_type3A_47 = arith.extui %lt3A : vector<512x512xi1> to vector<512x512xi32>
    %convert_element_type3A_48 = arith.sitofp %convert_element_type3A_47 : vector<512x512xi32> to vector<512x512xf32>
    %convert_element_type3A_49 = arith.truncf %convert_element_type3A_48 : vector<512x512xf32> to vector<512x512xbf16>
    %broadcast_in_dim3A_50 = arith.constant 0.000000e+00 : f32
    %broadcast_in_dim3A_51 = vector.broadcast %broadcast_in_dim3A_50 : f32 to vector<1x16xf32>
    %slice3A = vector.extract_strided_slice %concatenate3A {offsets = [0, 0], sizes = [512, 16], strides = [1, 1]} : vector<2048x16xf32> to vector<512x16xf32>
    %convert_element_type3A_52 = arith.truncf %slice3A : vector<512x16xf32> to vector<512x16xbf16>
    %dot_general3A_53 = arith.constant dense<0.000000e+00> : vector<512x16xf32>
    %dot_general3A_54 = tpu.matmul %convert_element_type3A_49, %convert_element_type3A_52, %dot_general3A_53 {dimension_numbers = #tpu.dot_dimension_numbers<[1], [0], [0], [1], [0, 0, 1, 1], [], []>, transpose_lhs_hint = false} : vector<512x512xbf16>, vector<512x16xbf16>, vector<512x16xf32> -> vector<512x16xf32>
    %add3A_55 = vector.broadcast %broadcast_in_dim3A_51 : vector<1x16xf32> to vector<512x16xf32>
    %add3A_56 = arith.addf %dot_general3A_54, %add3A_55 : vector<512x16xf32>
    %reduce_sum3A = arith.constant dense<0.000000e+00> : vector<16xf32>
    %reduce_sum3A_57 = vector.multi_reduction <add>, %slice3A, %reduce_sum3A [0] : vector<512x16xf32> to vector<16xf32>
    %broadcast_in_dim3A_58 = vector.shape_cast %reduce_sum3A_57 : vector<16xf32> to vector<1x16xf32>
    %add3A_59 = arith.addf %broadcast_in_dim3A_51, %broadcast_in_dim3A_58 : vector<1x16xf32>
    %slice3A_60 = vector.extract_strided_slice %concatenate3A {offsets = [512, 0], sizes = [512, 16], strides = [1, 1]} : vector<2048x16xf32> to vector<512x16xf32>
    %convert_element_type3A_61 = arith.truncf %slice3A_60 : vector<512x16xf32> to vector<512x16xbf16>
    %dot_general3A_62 = arith.constant dense<0.000000e+00> : vector<512x16xf32>
    %dot_general3A_63 = tpu.matmul %convert_element_type3A_49, %convert_element_type3A_61, %dot_general3A_62 {dimension_numbers = #tpu.dot_dimension_numbers<[1], [0], [0], [1], [0, 0, 1, 1], [], []>, transpose_lhs_hint = false} : vector<512x512xbf16>, vector<512x16xbf16>, vector<512x16xf32> -> vector<512x16xf32>
    %add3A_64 = vector.broadcast %add3A_59 : vector<1x16xf32> to vector<512x16xf32>
    %add3A_65 = arith.addf %dot_general3A_63, %add3A_64 : vector<512x16xf32>
    %reduce_sum3A_66 = arith.constant dense<0.000000e+00> : vector<16xf32>
    %reduce_sum3A_67 = vector.multi_reduction <add>, %slice3A_60, %reduce_sum3A_66 [0] : vector<512x16xf32> to vector<16xf32>
    %broadcast_in_dim3A_68 = vector.shape_cast %reduce_sum3A_67 : vector<16xf32> to vector<1x16xf32>
    %add3A_69 = arith.addf %add3A_59, %broadcast_in_dim3A_68 : vector<1x16xf32>
    %slice3A_70 = vector.extract_strided_slice %concatenate3A {offsets = [1024, 0], sizes = [512, 16], strides = [1, 1]} : vector<2048x16xf32> to vector<512x16xf32>
    %convert_element_type3A_71 = arith.truncf %slice3A_70 : vector<512x16xf32> to vector<512x16xbf16>
    %dot_general3A_72 = arith.constant dense<0.000000e+00> : vector<512x16xf32>
    %dot_general3A_73 = tpu.matmul %convert_element_type3A_49, %convert_element_type3A_71, %dot_general3A_72 {dimension_numbers = #tpu.dot_dimension_numbers<[1], [0], [0], [1], [0, 0, 1, 1], [], []>, transpose_lhs_hint = false} : vector<512x512xbf16>, vector<512x16xbf16>, vector<512x16xf32> -> vector<512x16xf32>
    %add3A_74 = vector.broadcast %add3A_69 : vector<1x16xf32> to vector<512x16xf32>
    %add3A_75 = arith.addf %dot_general3A_73, %add3A_74 : vector<512x16xf32>
    %reduce_sum3A_76 = arith.constant dense<0.000000e+00> : vector<16xf32>
    %reduce_sum3A_77 = vector.multi_reduction <add>, %slice3A_70, %reduce_sum3A_76 [0] : vector<512x16xf32> to vector<16xf32>
    %broadcast_in_dim3A_78 = vector.shape_cast %reduce_sum3A_77 : vector<16xf32> to vector<1x16xf32>
    %add3A_79 = arith.addf %add3A_69, %broadcast_in_dim3A_78 : vector<1x16xf32>
    %slice3A_80 = vector.extract_strided_slice %concatenate3A {offsets = [1536, 0], sizes = [512, 16], strides = [1, 1]} : vector<2048x16xf32> to vector<512x16xf32>
    %convert_element_type3A_81 = arith.truncf %slice3A_80 : vector<512x16xf32> to vector<512x16xbf16>
    %dot_general3A_82 = arith.constant dense<0.000000e+00> : vector<512x16xf32>
    %dot_general3A_83 = tpu.matmul %convert_element_type3A_49, %convert_element_type3A_81, %dot_general3A_82 {dimension_numbers = #tpu.dot_dimension_numbers<[1], [0], [0], [1], [0, 0, 1, 1], [], []>, transpose_lhs_hint = false} : vector<512x512xbf16>, vector<512x16xbf16>, vector<512x16xf32> -> vector<512x16xf32>
    %add3A_84 = vector.broadcast %add3A_79 : vector<1x16xf32> to vector<512x16xf32>
    %add3A_85 = arith.addf %dot_general3A_83, %add3A_84 : vector<512x16xf32>
    %reduce_sum3A_86 = arith.constant dense<0.000000e+00> : vector<16xf32>
    %reduce_sum3A_87 = vector.multi_reduction <add>, %slice3A_80, %reduce_sum3A_86 [0] : vector<512x16xf32> to vector<16xf32>
    %broadcast_in_dim3A_88 = vector.shape_cast %reduce_sum3A_87 : vector<16xf32> to vector<1x16xf32>
    %add3A_89 = arith.addf %add3A_79, %broadcast_in_dim3A_88 : vector<1x16xf32>
    %concatenate3A_90 = tpu.concatenate %add3A_56, %add3A_65, %add3A_75, %add3A_85 in 0 : vector<512x16xf32>, vector<512x16xf32>, vector<512x16xf32>, vector<512x16xf32> -> vector<2048x16xf32>
    %slice3A_91 = vector.extract_strided_slice %add3A_89 {offsets = [0, 0], sizes = [1, 8], strides = [1, 1]} : vector<1x16xf32> to vector<1x8xf32>
    %slice3A_92 = vector.extract_strided_slice %add3A_89 {offsets = [0, 8], sizes = [1, 8], strides = [1, 1]} : vector<1x16xf32> to vector<1x8xf32>
    %add3A_93 = arith.addf %slice3A_91, %slice3A_92 : vector<1x8xf32>
    %add3A_94 = arith.constant 5.110000e+02 : f32
    %add3A_95 = vector.broadcast %add3A_94 : f32 to vector<1x8xf32>
    %add3A_96 = arith.addf %add3A_93, %add3A_95 : vector<1x8xf32>
    %mul3A_97 = arith.constant 0.001953125 : f32
    %mul3A_98 = vector.broadcast %mul3A_97 : f32 to vector<1x8xf32>
    %mul3A_99 = arith.mulf %add3A_96, %mul3A_98 : vector<1x8xf32>
    %floor3A = math.floor %mul3A_99 : vector<1x8xf32>
    %mul3A_100 = arith.constant 5.120000e+02 : f32
    %mul3A_101 = vector.broadcast %mul3A_100 : f32 to vector<1x8xf32>
    %mul3A_102 = arith.mulf %floor3A, %mul3A_101 : vector<1x8xf32>
    %lt3A_103 = arith.cmpi slt, %iota3A, %iota3A_9 : vector<8x8xi32>
    %convert_element_type3A_104 = arith.extui %lt3A_103 : vector<8x8xi1> to vector<8x8xi32>
    %convert_element_type3A_105 = arith.sitofp %convert_element_type3A_104 : vector<8x8xi32> to vector<8x8xf32>
    %dot_general3A_106 = arith.constant dense<0.000000e+00> : vector<1x8xf32>
    %dot_general3A_107 = tpu.matmul %mul3A_102, %convert_element_type3A_105, %dot_general3A_106 {dimension_numbers = #tpu.dot_dimension_numbers<[1], [0], [0], [1], [0, 0, 1, 1], [], []>, precision = #tpu.contract_precision<fp32>, transpose_lhs_hint = false} : vector<1x8xf32>, vector<8x8xf32>, vector<1x8xf32> -> vector<1x8xf32>
    %reduce_sum3A_108 = arith.constant dense<0.000000e+00> : vector<1xf32>
    %reduce_sum3A_109 = vector.multi_reduction <add>, %mul3A_102, %reduce_sum3A_108 [1] : vector<1x8xf32> to vector<1xf32>
    %broadcast_in_dim3A_110 = vector.shape_cast %reduce_sum3A_109 : vector<1xf32> to vector<1x1xf32>
    %slice3A_111 = vector.extract_strided_slice %concatenate3A_90 {offsets = [0, 0], sizes = [2048, 8], strides = [1, 1]} : vector<2048x16xf32> to vector<2048x8xf32>
    %slice3A_112 = vector.extract_strided_slice %concatenate3A_90 {offsets = [0, 8], sizes = [2048, 8], strides = [1, 1]} : vector<2048x16xf32> to vector<2048x8xf32>
    %add3A_113 = vector.broadcast %dot_general3A_107 : vector<1x8xf32> to vector<2048x8xf32>
    %add3A_114 = arith.addf %add3A_113, %slice3A_111 : vector<2048x8xf32>
    %mul3A_115 = arith.mulf %mul3A, %add3A_114 : vector<2048x8xf32>
    %reduce_sum3A_116 = arith.constant dense<0.000000e+00> : vector<2048xf32>
    %reduce_sum3A_117 = vector.multi_reduction <add>, %mul3A_115, %reduce_sum3A_116 [1] : vector<2048x8xf32> to vector<2048xf32>
    %add3A_118 = arith.addf %dot_general3A_107, %slice3A_91 : vector<1x8xf32>
    %add3A_119 = vector.broadcast %add3A_118 : vector<1x8xf32> to vector<2048x8xf32>
    %add3A_120 = arith.addf %add3A_119, %slice3A_112 : vector<2048x8xf32>
    %mul3A_121 = arith.mulf %mul3A_36, %add3A_120 : vector<2048x8xf32>
    %reduce_sum3A_122 = arith.constant dense<0.000000e+00> : vector<2048xf32>
    %reduce_sum3A_123 = vector.multi_reduction <add>, %mul3A_121, %reduce_sum3A_122 [1] : vector<2048x8xf32> to vector<2048xf32>
    %iota3A_124 = tpu.iota {dimensions = array<i32: 0>} : vector<16x8xi32>
    %convert_element_type3A_125 = arith.sitofp %iota3A_124 : vector<16x8xi32> to vector<16x8xf32>
    %mul3A_126 = arith.constant 5.120000e+02 : f32
    %mul3A_127 = vector.broadcast %mul3A_126 : f32 to vector<16x8xf32>
    %mul3A_128 = arith.mulf %convert_element_type3A_125, %mul3A_127 : vector<16x8xf32>
    %ge3A = vector.broadcast %dot_general3A_107 : vector<1x8xf32> to vector<16x8xf32>
    %ge3A_129 = arith.cmpf oge, %mul3A_128, %ge3A : vector<16x8xf32>
    %add3A_130 = arith.addf %dot_general3A_107, %mul3A_102 : vector<1x8xf32>
    %lt3A_131 = vector.broadcast %add3A_130 : vector<1x8xf32> to vector<16x8xf32>
    %lt3A_132 = arith.cmpf olt, %mul3A_128, %lt3A_131 : vector<16x8xf32>
    %and3A = arith.andi %ge3A_129, %lt3A_132 : vector<16x8xi1>
    %convert_element_type3A_133 = arith.extui %and3A : vector<16x8xi1> to vector<16x8xi32>
    %convert_element_type3A_134 = arith.sitofp %convert_element_type3A_133 : vector<16x8xi32> to vector<16x8xf32>
    %iota3A_135 = tpu.iota {dimensions = array<i32: 1>} : vector<16x8xi32>
    %convert_element_type3A_136 = arith.sitofp %iota3A_135 : vector<16x8xi32> to vector<16x8xf32>
    %mul3A_137 = arith.mulf %convert_element_type3A_136, %convert_element_type3A_134 : vector<16x8xf32>
    %reduce_sum3A_138 = arith.constant dense<0.000000e+00> : vector<16xf32>
    %reduce_sum3A_139 = vector.multi_reduction <add>, %mul3A_137, %reduce_sum3A_138 [1] : vector<16x8xf32> to vector<16xf32>
    %slice3A_140 = vector.extract_strided_slice %mul3A_128 {offsets = [0, 0], sizes = [16, 1], strides = [1, 1]} : vector<16x8xf32> to vector<16x1xf32>
    %squeeze3A = vector.shape_cast %slice3A_140 : vector<16x1xf32> to vector<16xf32>
    %squeeze3A_141 = vector.extract %broadcast_in_dim3A_110[0, 0] : f32 from vector<1x1xf32>
    %ge3A_142 = vector.broadcast %squeeze3A_141 : f32 to vector<16xf32>
    %ge3A_143 = arith.cmpf oge, %squeeze3A, %ge3A_142 : vector<16xf32>
    %convert_element_type3A_144 = arith.extui %ge3A_143 : vector<16xi1> to vector<16xi32>
    %convert_element_type3A_145 = arith.sitofp %convert_element_type3A_144 : vector<16xi32> to vector<16xf32>
    %mul3A_146 = arith.constant 7.000000e+00 : f32
    %mul3A_147 = vector.broadcast %mul3A_146 : f32 to vector<16xf32>
    %mul3A_148 = arith.mulf %mul3A_147, %convert_element_type3A_145 : vector<16xf32>
    %add3A_149 = arith.addf %reduce_sum3A_139, %mul3A_148 : vector<16xf32>
    %squeeze3A_150 = vector.shape_cast %broadcast_in_dim3A_110 : vector<1x1xf32> to vector<1xf32>
    %mul3A_151 = arith.constant 0.001953125 : f32
    %mul3A_152 = vector.broadcast %mul3A_151 : f32 to vector<1xf32>
    %mul3A_153 = arith.mulf %squeeze3A_150, %mul3A_152 : vector<1xf32>
    %convert_element_type3A_154 = arith.fptosi %reduce_sum3A_117 : vector<2048xf32> to vector<2048xi32>
    %convert_element_type3A_155 = arith.fptosi %reduce_sum3A_123 : vector<2048xf32> to vector<2048xi32>
    %shift_left3A = arith.constant 16 : i32
    %shift_left3A_156 = vector.broadcast %shift_left3A : i32 to vector<2048xi32>
    %shift_left3A_157 = arith.shli %convert_element_type3A_155, %shift_left3A_156 : vector<2048xi32>
    %or3A = arith.ori %convert_element_type3A_154, %shift_left3A_157 : vector<2048xi32>
    %reshape3A = vector.shape_cast %or3A : vector<2048xi32> to vector<16x128xi32>
    %swap3A = arith.constant 0 : index
    %swap3A_158 = arith.constant 0 : index
    %swap3A_159 = vector.load %arg2[%swap3A, %swap3A_158] : memref<16x128xi32, #tpu.memory_space<vmem>>, vector<16x128xi32>
    tpu.vector_store %arg2[%swap3A, %swap3A_158], %reshape3A {strides = array<i32>} : memref<16x128xi32, #tpu.memory_space<vmem>>, vector<16x128xi32>,
    %concatenate3A_160 = tpu.concatenate %add3A_149, %mul3A_153 in 0 : vector<16xf32>, vector<1xf32> -> vector<17xf32>
    %convert_element_type3A_161 = arith.fptosi %concatenate3A_160 : vector<17xf32> to vector<17xi32>
    %jit3A = arith.constant 0 : i32
    %pad3A = vector.broadcast %jit3A : i32 to vector<111xi32>
    %pad3A_162 = tpu.concatenate %convert_element_type3A_161, %pad3A in 0 : vector<17xi32>, vector<111xi32> -> vector<128xi32>
    %broadcast_in_dim3A_163 = vector.shape_cast %pad3A_162 : vector<128xi32> to vector<1x128xi32>
    %swap3A_164 = arith.constant 0 : index
    %swap3A_165 = arith.constant 0 : index
    %swap3A_166 = vector.load %arg3[%swap3A_164, %swap3A_165] : memref<1x128xi32, #tpu.memory_space<vmem>>, vector<1x128xi32>
    tpu.vector_store %arg3[%swap3A_164, %swap3A_165], %broadcast_in_dim3A_163 {strides = array<i32>} : memref<1x128xi32, #tpu.memory_space<vmem>>, vector<1x128xi32>,
    %broadcast_in_dim3A_167 = vector.shape_cast %div3A_41 : vector<2048x1xf32> to vector<2048x1xf32>
    %broadcast_in_dim3A_168 = vector.broadcast %broadcast_in_dim3A_167 : vector<2048x1xf32> to vector<2048x128xf32>
    %swap3A_169 = arith.constant 0 : index
    %swap3A_170 = arith.constant 0 : index
    %swap3A_171 = vector.load %arg4[%swap3A_169, %swap3A_170] : memref<2048x128xf32, #tpu.memory_space<vmem>>, vector<2048x128xf32>
    tpu.vector_store %arg4[%swap3A_169, %swap3A_170], %broadcast_in_dim3A_168 {strides = array<i32>} : memref<2048x128xf32, #tpu.memory_space<vmem>>, vector<2048x128xf32>,
    %broadcast_in_dim3A_172 = vector.shape_cast %sub3A_44 : vector<2048x1xf32> to vector<2048x1xf32>
    %broadcast_in_dim3A_173 = vector.broadcast %broadcast_in_dim3A_172 : vector<2048x1xf32> to vector<2048x128xf32>
    %swap3A_174 = arith.constant 0 : index
    %swap3A_175 = arith.constant 0 : index
    %swap3A_176 = vector.load %arg5[%swap3A_174, %swap3A_175] : memref<2048x128xf32, #tpu.memory_space<vmem>>, vector<2048x128xf32>
    tpu.vector_store %arg5[%swap3A_174, %swap3A_175], %broadcast_in_dim3A_173 {strides = array<i32>} : memref<2048x128xf32, #tpu.memory_space<vmem>>, vector<2048x128xf32>,
    %convert_element_type3A_177 = arith.truncf %get3A_1 : vector<2048x768xf32> to vector<2048x768xbf16>
    %slice3A_178 = vector.extract_strided_slice %convert_element_type3A_177 {offsets = [0, 0], sizes = [2048, 384], strides = [1, 1]} : vector<2048x768xbf16> to vector<2048x384xbf16>
    %bitcast_convert_type3A = tpu.bitcast %slice3A_178 : vector<2048x384xbf16> -> vector<2048x384xi16>
    %slice3A_179 = vector.extract_strided_slice %convert_element_type3A_177 {offsets = [0, 384], sizes = [2048, 384], strides = [1, 1]} : vector<2048x768xbf16> to vector<2048x384xbf16>
    %bitcast_convert_type3A_180 = tpu.bitcast %slice3A_179 : vector<2048x384xbf16> -> vector<2048x384xi16>
    %convert_element_type3A_181 = arith.extui %bitcast_convert_type3A : vector<2048x384xi16> to vector<2048x384xi32>
    %shift_left3A_182 = arith.constant 16 : i32
    %shift_left3A_183 = vector.broadcast %shift_left3A_182 : i32 to vector<2048x384xi32>
    %shift_left3A_184 = arith.shli %convert_element_type3A_181, %shift_left3A_183 : vector<2048x384xi32>
    %convert_element_type3A_185 = arith.extui %bitcast_convert_type3A_180 : vector<2048x384xi16> to vector<2048x384xi32>
    %or3A_186 = arith.ori %shift_left3A_184, %convert_element_type3A_185 : vector<2048x384xi32>
    %bitcast_convert_type3A_187 = tpu.bitcast %or3A_186 : vector<2048x384xi32> -> vector<2048x384xi32>
    %swap3A_188 = arith.constant 0 : index
    %swap3A_189 = arith.constant 0 : index
    %swap3A_190 = vector.load %arg6[%swap3A_188, %swap3A_189] : memref<2048x384xi32, #tpu.memory_space<vmem>>, vector<2048x384xi32>
    tpu.vector_store %arg6[%swap3A_188, %swap3A_189], %bitcast_convert_type3A_187 {strides = array<i32>} : memref<2048x384xi32, #tpu.memory_space<vmem>>, vector<2048x384xi32>,
    return
  }
}

</mosaic_0001>

<sc_bundles>
// kernel: kernel.6.cloned.1.call-start
scs
__scs_entry_jumppad:
0x0: {  	(pc) =	sbr.rel $0x88, $3  }
0x1: {  	(tag) =	ssettag $0x0;
	lr =	simm.s32 $0x1  }
0x2: {  	[smem:$0x3F9D] =	sst lr;
	_ =	strace $0xD0000000  }
0x3: {  	_ = 	snop  }
0x4: {  	_ = 	snop  }
0x5: {  	_ = 	snop  }
0x6: {  	_ = 	snop  }
0x7: {  	_ = 	snop  }
__scs_overlays_trampoline_lowered:
0x8: {  	[smem:$0x3FAC] =	sst s0  }
0x9: {  	[smem:$0x3FAD] =	sst s1  }
0xa: {  	[smem:$0x3FAE] =	sst s2  }
0xb: {  	[smem:$0x3FAF] =	sst s3  }
0xc: {  	[smem:$0x3FB0] =	sst s4  }
0xd: {  	[smem:$0x3FB1] =	sst s5  }
0xe: {  	[smem:$0x3FB2] =	sst s6  }
0xf: {  	[smem:$0x3FB3] =	sst s7  }
0x10: {  	[smem:$0x3FB4] =	sst s8  }
0x11: {  	[smem:$0x3FB5] =	sst s9;
	s0 =	simm.s32 @!p0 $0x0  }
0x12: {  	s1 =	sld [smem:$0x3F9B];
	s0 =	simm.s32 @p0 $0x1  }
0x13: {  	[smem:$0x3FB6] =	sst s0;
	s0 =	simm.s32 @!p1 $0x0  }
0x14: {  	s2 =	sld [smem:$0x3F9A];
	s0 =	simm.s32 @p1 $0x1  }
0x15: {  	[smem:$0x3FB7] =	sst s0;
	s0 =	simm.s32 @!p2 $0x0  }
0x16: {  	s3 =	sld [smem:$0x3FDB];
	s0 =	simm.s32 @p2 $0x1  }
0x17: {  	s4 =	simm.s32 $0x1BF5;
	[smem:$0x3FB9] =	sst s0  }
0x18: {  	s0 =	sld [smem:$0x3F9C];
	_ =	swait.ge [sflag:s4], $0x0  }
0x19: {  	s7 =	sld [smem:$0x3F9D]  }
0x1a: {  	s8 =	sadd.s32 $0xFFFFE003, lr  }
0x1b: {  	s9 =	sadd.s32 $0xFFFFFEF7, lr;
	s5 =	simm.s32 $0xFFFFFFFF;
	p2 =	slt.u32 s8, $0xFFFFF086  }
0x1c: {  	p1 =	slt.u32 s9, $0xF7A;
	s5 =	simm.s32 @!p2 $0x0  }
0x1d: {  	s5 =	simm.s32 @p1 $0x1;
	p0 =	seq.s32 s7, s2  }
0x1e: {  	s7 =	smul.u32 @!p0 $0xF7A, s2;
	p2 =	seq.s32 @!p0 s5, $0x0  }
0x1f: {  	s9 =	smul.u32 $0xF7A, s1;
	s8 =	simm.s32 @!p0 $0x1BF5;
	p2 =	por !p2, p0  }
0x20: {  	[sflag:s8] =	ssyncset.s32 @!p0 $0xFFFFF086;
	s6 =	sadd.s32 @!p0 s3, s7;
	s7 =	simm.s32 @!p0 $0x108  }
0x21: {  	s3 =	sadd.s32 s3, s9;
	s6 =	sadd.s32 @!p0 $0x88, s6;
	s7 =	simm.s32 @p2 $0x1082  }
0x22: {  	[simem:s7], [sflag:s8] =	dma.local @!p0 [hbm:s6], $0xF7A  }
0x23: {  	s9 =	sor.u32 $0xD0000000, s2;
	s6 =	simm.s32 $0x108;
	_ =	swait.ge @!p0 [sflag:s8], $0x0  }
0x24: {  	s3 =	sadd.s32 $0x88, s3;
	s6 =	simm.s32 @!p1 $0x1082;
	[sflag:s4] =	ssyncset.s32 $0xFFFFF086  }
0x25: {  	[simem:s6], [sflag:s4] =	dma.local [hbm:s3], $0xF7A  }
0x26: {  	[smem:$0x3F9D] =	sst s1;
	(tag) =	ssettag s2;
	_ =	strace s9  }
0x27: {  	s1 =	sld [smem:$0x3FAD]  }
0x28: {  	s2 =	sld [smem:$0x3FAE]  }
0x29: {  	s4 =	sld [smem:$0x3FB0]  }
0x2a: {  	p0 =	seq.s32 s5, $0x0;
	s5 =	sld [smem:$0x3FB1]  }
0x2b: {  	s6 =	sld [smem:$0x3FB2]  }
0x2c: {  	s7 =	sld [smem:$0x3FB3]  }
0x2d: {  	s3 =	simm.s32 $0x108;
	s8 =	sld [smem:$0x3FB4]  }
0x2e: {  	s3 =	simm.s32 @!p0 $0x1082;
	s9 =	sld [smem:$0x3FB5]  }
0x2f: {  	lr =	sadd.s32 s0, s3;
	s0 =	sld [smem:$0x3FAC]  }
0x30: {  	s3 =	sld [smem:$0x3FAF]  }
0x31: {  	[smem:$0x3FB8] =	sst s10  }
0x32: {  	s10 =	sld [smem:$0x3FB6];
	_ =	sdelay $0x3  }
0x33: {  	p0 =	seq.s32 s10, $0x1;
	s10 =	sld [smem:$0x3FB8];
	_ =	sdelay $0x3  }
0x34: {  	[smem:$0x3FB8] =	sst s10  }
0x35: {  	s10 =	sld [smem:$0x3FB7];
	_ =	sdelay $0x3  }
0x36: {  	p1 =	seq.s32 s10, $0x1;
	s10 =	sld [smem:$0x3FB8];
	_ =	sdelay $0x3  }
0x37: {  	[smem:$0x3FB8] =	sst s10  }
0x38: {  	s10 =	sld [smem:$0x3FB9]  }
0x39: {  	_ = 	snop;
	(pc) =	sbr.ind lr, $3  }
0x3a: {  	_ = 	snop  }
0x3b: {  	_ = 	snop  }
0x3c: {  	p2 =	seq.s32 s10, $0x1;
	s10 =	sld [smem:$0x3FB8]  }
0x3d: {  	_ =	shalt  }
0x3e: {  	_ =	shalt  }
0x3f: {  	_ =	shalt  }
0x40: {  	_ =	shalt  }
0x41: {  	_ =	shalt  }
0x42: {  	_ =	shalt  }
0x43: {  	_ =	shalt  }
0x44: {  	_ =	shalt  }
0x45: {  	_ =	shalt  }
0x46: {  	_ =	shalt  }
0x47: {  	_ =	shalt  }
0x48: {  	_ =	shalt  }
0x49: {  	_ =	shalt  }
0x4a: {  	_ =	shalt  }
0x4b: {  	_ =	shalt  }
0x4c: {  	_ =	shalt  }
0x4d: {  	_ =	shalt  }
0x4e: {  	_ =	shalt  }
0x4f: {  	_ =	shalt  }
0x50: {  	_ =	shalt  }
0x51: {  	_ =	shalt  }
0x52: {  	_ =	shalt  }
0x53: {  	_ =	shalt  }
0x54: {  	_ =	shalt  }
0x55: {  	_ =	shalt  }
0x56: {  	_ =	shalt  }
0x57: {  	_ =	shalt  }
0x58: {  	_ =	shalt  }
0x59: {  	_ =	shalt  }
0x5a: {  	_ =	shalt  }
0x5b: {  	_ =	shalt  }
0x5c: {  	_ =	shalt  }
0x5d: {  	_ =	shalt  }
0x5e: {  	_ =	shalt  }
0x5f: {  	_ =	shalt  }
0x60: {  	_ =	shalt  }
0x61: {  	_ =	shalt  }
0x62: {  	_ =	shalt  }
0x63: {  	_ =	shalt  }
0x64: {  	_ =	shalt  }
0x65: {  	_ =	shalt  }
0x66: {  	_ =	shalt  }
0x67: {  	_ =	shalt  }
0x68: {  	_ =	shalt  }
0x69: {  	_ =	shalt  }
0x6a: {  	_ =	shalt  }
0x6b: {  	_ =	shalt  }
0x6c: {  	_ =	shalt  }
0x6d: {  	_ =	shalt  }
0x6e: {  	_ =	shalt  }
0x6f: {  	_ =	shalt  }
0x70: {  	_ =	shalt  }
0x71: {  	_ =	shalt  }
0x72: {  	_ =	shalt  }
0x73: {  	_ =	shalt  }
0x74: {  	_ =	shalt  }
0x75: {  	_ =	shalt  }
0x76: {  	_ =	shalt  }
0x77: {  	_ =	shalt  }
0x78: {  	_ =	shalt  }
0x79: {  	_ =	shalt  }
0x7a: {  	_ =	shalt  }
0x7b: {  	_ =	shalt  }
0x7c: {  	_ =	shalt  }
0x7d: {  	_ =	shalt  }
0x7e: {  	_ =	shalt  }
0x7f: {  	_ =	shalt  }
0x80: {  	_ =	shalt  }
0x81: {  	_ =	shalt  }
0x82: {  	_ =	shalt  }
0x83: {  	_ =	shalt  }
0x84: {  	_ =	shalt  }
0x85: {  	_ =	shalt  }
0x86: {  	_ =	shalt  }
0x87: {  	_ =	shalt  }
.Lfunc_end0:
.L_simem_size_0:
called_computation_lowered:
.L_overlay_start_0:
0x88: {  	s2 =	sld [smem:$0x3FD9]  }
0x89: {  	s3 =	sld [smem:$0x3FFE];
	_ =	sdelay $0x1  }
0x8a: {  	s1 =	srdreg.scid  }
0x8b: {  	s0 =	sand.u32 $0x1, s1  }
0x8c: {  	s17 =	sshll.u32 s0, $0xA;
	s2 =	sadd.s32 s3, s2  }
0x8d: {  	s2 =	sadd.s32 s2, s17  }
0x8e: {  	[smem:$0x3FC4] =	sst s2  }
0x8f: {  	_ = 	snop  }
0x90: {  	s2 =	sld [smem:$0x3FD0];
	(tm) =	ssettm $0x1  }
0x91: {  	s18 =	sld [smem:$0x3FFB];
	_ =	sdelay $0x3  }
0x92: {  	_ =	strace s18  }
0x93: {  	s3 =	sld [smem:$0x3FFC];
	_ =	sdelay $0x3  }
0x94: {  	_ =	strace s3  }
0x95: {  	s3 =	sld [smem:$0x3FFD];
	_ =	sdelay $0x3  }
0x96: {  	_ =	strace s3  }
0x97: {  	_ =	strace $0x8FFFFFFF  }
0x98: {  	s19 =	sld [smem:$0x3FDB];
	_ =	sdelay $0x1  }
0x99: {  	s4 =	simm.s32 $_scs_section_size  }
0x9a: {  	s5 =	simm.s32 $_size__tile_overlayer_lowered;
	s6 =	simm.s32 $_tile_overlayer_lowered  }
0x9b: {  	s22 =	simm.s32 $0x1BFF;
	s21 =	sshll.u32 s6, $0x1;
	s3 =	sadd.s32 s4, s19  }
0x9c: {  	s7 =	simm.s32 $0x0;
	s20 =	sshll.u32 s5, $0x1;
	s5 =	sadd.s32 s21, s3  }
0x9d: {  	[timem:s7], [sflag:s22] =	dma.local [hbm:s5], s20  }
0x9e: {  	_ =	swait.ge [sflag:s22], s20  }
0x9f: {  	s4 =	ssub.s32 $0x0, s20;
	[sflag:s22] =	ssyncset.done $0x0  }
0xa0: {  	[sflag:s22] =	ssyncadd.s32 s4;
	_ =	sdelay $0x1  }
0xa1: {  	s23 =	simm.s32 $0x1B8B  }
0xa2: {  	_ =	swait.ge [sflag:s23], $0x1  }
0xa3: {  	[sflag:s23] =	ssyncset.done $0x0  }
0xa4: {  	s25 =	simm.s32 $0x1B8E;
	s24 =	sld [smem:$0x3FFE];
	[sflag:s23] =	ssyncadd.s32 $0xFFFFFFFF  }
0xa5: {  	s26 =	simm.s32 $execute0_lowered;
	[smem:$0x3FD2] =	sst s25  }
0xa6: {  	s5 =	sshll.u32 s26, $0x1;
	_ =	strace $0x80000046;
	[dreg:$0x1] =	wrdreg $0xFFFFFFFF  }
0xa7: {  	s28 =	simm.s32 $_size_execute0_lowered;
	s3 =	sadd.s32 s3, s5;
	[dreg:$0x0] =	wrdreg $0x0  }
0xa8: {  	s5 =	sshll.u32 s28, $0x1;
	[dreg:$0x2] =	wrdreg s3  }
0xa9: {  	[dreg:$0x3] =	wrdreg s5  }
0xaa: {  	[dreg:$0x4] =	wrdreg $0xC0  }
0xab: {  	_ =	task [dreg:s7], $0x5FFFF  }
0xac: {  	[dreg:$0x1] =	wrdreg $0xFFFFFFFF  }
0xad: {  	[dreg:$0x0] =	wrdreg $0x60  }
0xae: {  	[dreg:$0x2] =	wrdreg s24  }
0xaf: {  	[dreg:$0x3] =	wrdreg s2  }
0xb0: {  	[dreg:$0x4] =	wrdreg $0x9  }
0xb1: {  	_ =	task.clear_ibuf [dreg:s7], $0x5FFFF;
	_ =	strace $0x90000046  }
0xb2: {  	s29 =	simm.s32 $0x9;
	_ =	strace $0x80000048  }
0xb3: {  	_ =	swait.ge [sflag:s29], $0x1  }
0xb4: {  	[sflag:s29] =	ssyncadd.s32 $0xFFFFFFFF  }
0xb5: {  	_ =	strace $0x90000048  }
0xb6: {  	_ =	sfence  }
0xb7: {  	s30 =	sld [smem:$0x0];
	_ =	sdelay $0x2  }
0xb8: {  	s31 =	sshll.u32 s1, $0xD;
	s1 =	sshrl.u32 s1, $0x2  }
0xb9: {  	s3 =	sand.u32 $0x4000, s31;
	s1 =	sadd.s32 s1, s30  }
0xba: {  	s0 =	sor.u32 s3, s0;
	s1 =	sshll.u32 s1, $0x11  }
0xbb: {  	s0 =	sor.u32 s1, s0  }
0xbc: {  	s0 =	sadd.s32 $0x8F2B, s0  }
0xbd: {  	[sflag:s0] =	ssyncadd.remote.s32 $0x1  }
0xbe: {  	_ =	sfence.sel $0xFFFF  }
0xbf: {  	[dreg:$0x0] =	wrdreg $0xFFFFFFFF;
	(pc) =	sbr.abs _section_cstart, $3  }
0xc0: {  	[dreg:$0x1] =	wrdreg $0xFFFFFFFF  }
0xc1: {  	_ =	task.clear_ibuf [dreg:s7], $0x2FFFF;
	_ =	strace $0x9FFFFFFF  }
0xc2: {  	(tm) =	ssettm $0x7FFFFFFF  }
0xc3: {  	_ =	shalt  }
tec
execute0_lowered:
.L_overlay_start_1:
0x0: {  	(tag) =	ssettag $0x1  }
0x1: {  	s1 =	srdreg.scid;
	s7 =	rddreg [dreg:$0x0]  }
0x2: {  	s0 =	stileid.u32;
	s2 =	rddreg [dreg:$0x1]  }
0x3: {  	s11 =	simm.s32 $0x1;
	s12 =	simm.s32 $0x6180;
	s13 =	simm.s32 $0x980  }
0x4: {  	s14 =	simm.s32 $0xD80;
	s15 =	simm.s32 $0x1580;
	s16 =	simm.s32 $0x1980  }
0x5: {  	s17 =	simm.s32 $0x2180;
	s18 =	simm.s32 $0x2580;
	s19 =	simm.s32 $0x2D80  }
0x6: {  	s20 =	simm.s32 $0x3180;
	s21 =	simm.s32 $0x3980;
	s22 =	simm.s32 $0x3D80  }
0x7: {  	s23 =	simm.s32 $0x4580;
	s28 =	simm.s32 $0x5D80;
	s29 =	simm.s32 $0x40  }
0x8: {  	s30 =	simm.s32 $0x80;
	s31 =	simm.s32 $0x100;
	s4 =	sand.u32 $0x1, s1  }
0x9: {  	s24 =	sshll.u32 s0, $0x7;
	s3 =	sshll.u32 s4, $0x6;
	s9 =	ssub.s32 $0x2, s4  }
0xa: {  	s4 =	sadd.s32 $0x2A000, s7;
	s5 =	sor.u32 s3, s24;
	s3 =	simm.s32 $0x0  }
0xb: {  	s25 =	sshrl.u32 s9, $0x1;
	s24 =	simm.s32 $0x4980;
	s6 =	sshrl.u32 s5, $0x3  }
0xc: {  	[smem:$0x7FF] =	sst s3;
	s5 =	sshll.u32 s5, $0x4;
	s9 =	ssub.s32 s9, s25  }
0xd: {  	s25 =	simm.s32 $0x5180;
	s8 =	smul.u32 $0x180, s6;
	_ =	strace $0x80000047  }
0xe: {  	s6 =	sadd.s32 s6, s7;
	s10 =	sadd.s32 s5, s7;
	s9 =	smax.u32 s9, $0x1  }
0xf: {  	v2 =	vlaneseq.u32;
	s5 =	sadd.s32 $0x29E00, s6;
	s6 =	sadd.s32 $0x19E00, s10;
	s8 =	sadd.s32 s8, s7  }
0x10: {  	vm0 =	vmmov $0xffff;
	vm1 =	vmmov $0xff;
	v1 =	vshrl.u32 v2, $0x3;
	s7 =	sadd.s32 $0x2A100, s7;
	s26 =	sadd.s32 $0x1E00, s8;
	s8 =	sadd.s32 $0x21E00, s10  }
0x11: {  	v0 =	vand.u32 $0x7, v2;
	v2 =	vor.u32 $0x8, v2;
	v1 =	vmul.u32 $0x8, v1;
	s10 =	simm.s32 $0x180;
	[dreg:$0x3] =	wrdreg s26;
	s26 =	simm.s32 $0x5580  }
.LBB2_1:
0x12: {  	s1 =	rddreg [dreg:$0x3]  }
0x13: {  	[tilespmem:s10], [sflag:$0x1] =	stream.linear.gather [hbm4b:s1+s3], $0x6000, $0x38;
	[tilespmem:$0x8180] =	vst v63  }
0x14: {  	_ =	swait.ge [sflag:s11], $0x6000  }
0x15: {  	[sflag:s11] =	ssyncset.done $0x0  }
0x16: {  	[sflag:s11] =	ssyncadd.s32 $0xFFFFA000  }
0x17: {  	[tilespmem:s3], [sflag:$0x1] =	stream.linear.gather [hbm4b:s5+s3], $0x40, $0x38;
	[tilespmem:$0x8180] =	vst v63  }
0x18: {  	_ =	swait.ge [sflag:s11], $0x40  }
0x19: {  	[sflag:s11] =	ssyncset.done $0x0  }
0x1a: {  	[sflag:s11] =	ssyncadd.s32 $0xFFFFFFC0  }
0x1b: {  	v3 =	vld [tilespmem:$0x0];
	_ =	sdelay $0x1  }
0x1c: {  	v4 =	vld [tilespmem:$0x10];
	_ =	sdelay $0x1  }
0x1d: {  	v5 =	vld [tilespmem:$0x20]  }
0x1e: {  	v6 =	vand.u32 $0xFFFF, v3  }
0x1f: {  	v55 =	vld [tilespmem:$0x30];
	v3 =	vshra.s32 v3, $0x10;
	[tilespmem:$0x80] =	vst v6  }
0x20: {  	[tilespmem:$0x100] =	vst v3;
	v3 =	vand.u32 $0xFFFF, v4  }
0x21: {  	[tilespmem:$0x90] =	vst v3;
	v3 =	vshra.s32 v4, $0x10  }
0x22: {  	[tilespmem:$0x110] =	vst v3;
	v3 =	vand.u32 $0xFFFF, v5  }
0x23: {  	[tilespmem:$0xA0] =	vst v3;
	v3 =	vshra.s32 v5, $0x10  }
0x24: {  	[tilespmem:$0x120] =	vst v3;
	v3 =	vand.u32 $0xFFFF, v55  }
0x25: {  	[tilespmem:$0xB0] =	vst v3;
	v3 =	vshra.s32 v55, $0x10  }
0x26: {  	[tilespmem:$0x130] =	vst v3  }
0x27: {  	[tilespmem:s12], [sflag:$0x1] =	stream.linear.gather [hbm4b:s6+s3], $0x2000, $0x38;
	[tilespmem:$0x8180] =	vst v63  }
0x28: {  	_ =	swait.ge [sflag:s11], $0x2000  }
0x29: {  	[sflag:s11] =	ssyncset.done $0x0  }
0x2a: {  	[sflag:s11] =	ssyncadd.s32 $0xFFFFE000  }
0x2b: {  	v3 =	vld [tilespmem:$0x80];
	_ =	sdelay $0x4  }
0x2c: {  	v56 =	vshrl.u32 v3, $0x3  }
0x2d: {  	v4 =	vmul.u32 $0x18, v56  }
0x2e: {  	v3 =	vand.u32 $0x7, v3  }
0x2f: {  	v3 =	vor.u32 v3, v4  }
0x30: {  	v4 =	vperm.xlane v3, v0;
	_ =	sdelay $0x1  }
0x31: {  	v4 =	vadd.s32 v1, v4;
	_ =	sdelay $0x1  }
0x32: {  	v3 =	vperm.xlane v3, v2;
	_ =	sdelay $0x1  }
0x33: {  	v3 =	vadd.s32 v1, v3  }
0x34: {  	[hbm4b:s4+s3] =	stream.indirect_vreg.scatter [tilespmem:s10], [sflag:$0x1], $0x80, v4, vm0, $0xb8;
	[tilespmem:$0x8180] =	vst v63  }
0x35: {  	_ = 	snop  }
0x36: {  	[hbm4b:s7+s3] =	stream.indirect_vreg.scatter [tilespmem:s13], [sflag:$0x1], $0x80, v4, vm1, $0xb8;
	[tilespmem:$0x8180] =	vst v63  }
0x37: {  	_ = 	snop  }
0x38: {  	[hbm4b:s4+s3] =	stream.indirect_vreg.scatter [tilespmem:s14], [sflag:$0x1], $0x80, v3, vm0, $0xb8;
	[tilespmem:$0x8180] =	vst v63  }
0x39: {  	_ = 	snop  }
0x3a: {  	[hbm4b:s7+s3] =	stream.indirect_vreg.scatter [tilespmem:s15], [sflag:$0x1], $0x80, v3, vm1, $0xb8;
	[tilespmem:$0x8180] =	vst v63  }
0x3b: {  	v3 =	vld [tilespmem:$0x90];
	_ =	sdelay $0x4  }
0x3c: {  	v57 =	vshrl.u32 v3, $0x3  }
0x3d: {  	v4 =	vmul.u32 $0x18, v57  }
0x3e: {  	v3 =	vand.u32 $0x7, v3  }
0x3f: {  	v3 =	vor.u32 v3, v4  }
0x40: {  	v4 =	vperm.xlane v3, v0;
	_ =	sdelay $0x1  }
0x41: {  	v4 =	vadd.s32 v1, v4;
	_ =	sdelay $0x1  }
0x42: {  	v3 =	vperm.xlane v3, v2;
	_ =	sdelay $0x1  }
0x43: {  	v3 =	vadd.s32 v1, v3  }
0x44: {  	[hbm4b:s4+s3] =	stream.indirect_vreg.scatter [tilespmem:s16], [sflag:$0x1], $0x80, v4, vm0, $0xb8;
	[tilespmem:$0x8180] =	vst v63  }
0x45: {  	_ = 	snop  }
0x46: {  	[hbm4b:s7+s3] =	stream.indirect_vreg.scatter [tilespmem:s17], [sflag:$0x1], $0x80, v4, vm1, $0xb8;
	[tilespmem:$0x8180] =	vst v63  }
0x47: {  	_ = 	snop  }
0x48: {  	[hbm4b:s4+s3] =	stream.indirect_vreg.scatter [tilespmem:s18], [sflag:$0x1], $0x80, v3, vm0, $0xb8;
	[tilespmem:$0x8180] =	vst v63  }
0x49: {  	_ = 	snop  }
0x4a: {  	[hbm4b:s7+s3] =	stream.indirect_vreg.scatter [tilespmem:s19], [sflag:$0x1], $0x80, v3, vm1, $0xb8;
	[tilespmem:$0x8180] =	vst v63  }
0x4b: {  	v3 =	vld [tilespmem:$0xA0];
	_ =	sdelay $0x4  }
0x4c: {  	v58 =	vshrl.u32 v3, $0x3  }
0x4d: {  	v4 =	vmul.u32 $0x18, v58  }
0x4e: {  	v3 =	vand.u32 $0x7, v3  }
0x4f: {  	v3 =	vor.u32 v3, v4  }
0x50: {  	v4 =	vperm.xlane v3, v0;
	_ =	sdelay $0x1  }
0x51: {  	v4 =	vadd.s32 v1, v4;
	_ =	sdelay $0x1  }
0x52: {  	v3 =	vperm.xlane v3, v2;
	_ =	sdelay $0x1  }
0x53: {  	v3 =	vadd.s32 v1, v3  }
0x54: {  	[hbm4b:s4+s3] =	stream.indirect_vreg.scatter [tilespmem:s20], [sflag:$0x1], $0x80, v4, vm0, $0xb8;
	[tilespmem:$0x8180] =	vst v63  }
0x55: {  	_ = 	snop  }
0x56: {  	[hbm4b:s7+s3] =	stream.indirect_vreg.scatter [tilespmem:s21], [sflag:$0x1], $0x80, v4, vm1, $0xb8;
	[tilespmem:$0x8180] =	vst v63  }
0x57: {  	_ = 	snop  }
0x58: {  	[hbm4b:s4+s3] =	stream.indirect_vreg.scatter [tilespmem:s22], [sflag:$0x1], $0x80, v3, vm0, $0xb8;
	[tilespmem:$0x8180] =	vst v63  }
0x59: {  	_ = 	snop  }
0x5a: {  	[hbm4b:s7+s3] =	stream.indirect_vreg.scatter [tilespmem:s23], [sflag:$0x1], $0x80, v3, vm1, $0xb8;
	[tilespmem:$0x8180] =	vst v63  }
0x5b: {  	v3 =	vld [tilespmem:$0xB0];
	_ =	sdelay $0x4  }
0x5c: {  	v59 =	vshrl.u32 v3, $0x3  }
0x5d: {  	v4 =	vmul.u32 $0x18, v59  }
0x5e: {  	v3 =	vand.u32 $0x7, v3  }
0x5f: {  	v3 =	vor.u32 v3, v4  }
0x60: {  	v4 =	vperm.xlane v3, v0;
	_ =	sdelay $0x1  }
0x61: {  	v4 =	vadd.s32 v1, v4;
	_ =	sdelay $0x1  }
0x62: {  	v3 =	vperm.xlane v3, v2;
	_ =	sdelay $0x1  }
0x63: {  	v3 =	vadd.s32 v1, v3  }
0x64: {  	[hbm4b:s4+s3] =	stream.indirect_vreg.scatter [tilespmem:s24], [sflag:$0x1], $0x80, v4, vm0, $0xb8;
	[tilespmem:$0x8180] =	vst v63  }
0x65: {  	_ = 	snop  }
0x66: {  	[hbm4b:s7+s3] =	stream.indirect_vreg.scatter [tilespmem:s25], [sflag:$0x1], $0x80, v4, vm1, $0xb8;
	[tilespmem:$0x8180] =	vst v63  }
0x67: {  	_ = 	snop  }
0x68: {  	[hbm4b:s4+s3] =	stream.indirect_vreg.scatter [tilespmem:s26], [sflag:$0x1], $0x80, v3, vm0, $0xb8;
	[tilespmem:$0x8180] =	vst v63  }
0x69: {  	_ = 	snop  }
0x6a: {  	[hbm4b:s7+s3] =	stream.indirect_vreg.scatter [tilespmem:s28], [sflag:$0x1], $0x80, v3, vm1, $0xb8;
	[tilespmem:$0x8180] =	vst v63  }
0x6b: {  	_ =	swait.ge [sflag:s11], $0x6000  }
0x6c: {  	[sflag:s11] =	ssyncset.done $0x0  }
0x6d: {  	[sflag:s11] =	ssyncadd.s32 $0xFFFFA000  }
0x6e: {  	[hbm4b:s2+s29] =	stream.indirect.scatter [tilespmem:s12], [sflag:$0x1], $0x80, s30, s29, $0xb8;
	[tilespmem:$0x8180] =	vst v63  }
0x6f: {  	_ =	swait.ge [sflag:s11], $0x2000  }
0x70: {  	[sflag:s11] =	ssyncset.done $0x0  }
0x71: {  	[sflag:s11] =	ssyncadd.s32 $0xFFFFE000  }
0x72: {  	[tilespmem:s12], [sflag:$0x1] =	stream.linear.gather [hbm4b:s8+s3], $0x2000, $0x38;
	[tilespmem:$0x8180] =	vst v63  }
0x73: {  	_ =	swait.ge [sflag:s11], $0x2000  }
0x74: {  	[sflag:s11] =	ssyncset.done $0x0  }
0x75: {  	[sflag:s11] =	ssyncadd.s32 $0xFFFFE000  }
0x76: {  	v3 =	vld [tilespmem:$0x100];
	_ =	sdelay $0x4  }
0x77: {  	v60 =	vshrl.u32 v3, $0x3  }
0x78: {  	v4 =	vmul.u32 $0x18, v60  }
0x79: {  	v3 =	vand.u32 $0x7, v3  }
0x7a: {  	v3 =	vor.u32 v3, v4  }
0x7b: {  	v4 =	vperm.xlane v3, v0;
	_ =	sdelay $0x1  }
0x7c: {  	v4 =	vadd.s32 v1, v4;
	_ =	sdelay $0x1  }
0x7d: {  	v3 =	vperm.xlane v3, v2;
	_ =	sdelay $0x1  }
0x7e: {  	v3 =	vadd.s32 v1, v3  }
0x7f: {  	[hbm4b:s4+s3] =	stream.indirect_vreg.scatter [tilespmem:s10], [sflag:$0x1], $0x80, v4, vm0, $0xb8;
	[tilespmem:$0x8180] =	vst v63  }
0x80: {  	_ = 	snop  }
0x81: {  	[hbm4b:s7+s3] =	stream.indirect_vreg.scatter [tilespmem:s13], [sflag:$0x1], $0x80, v4, vm1, $0xb8;
	[tilespmem:$0x8180] =	vst v63  }
0x82: {  	_ = 	snop  }
0x83: {  	[hbm4b:s4+s3] =	stream.indirect_vreg.scatter [tilespmem:s14], [sflag:$0x1], $0x80, v3, vm0, $0xb8;
	[tilespmem:$0x8180] =	vst v63  }
0x84: {  	_ = 	snop  }
0x85: {  	[hbm4b:s7+s3] =	stream.indirect_vreg.scatter [tilespmem:s15], [sflag:$0x1], $0x80, v3, vm1, $0xb8;
	[tilespmem:$0x8180] =	vst v63  }
0x86: {  	v3 =	vld [tilespmem:$0x110];
	_ =	sdelay $0x4  }
0x87: {  	v61 =	vshrl.u32 v3, $0x3  }
0x88: {  	v4 =	vmul.u32 $0x18, v61  }
0x89: {  	v3 =	vand.u32 $0x7, v3  }
0x8a: {  	v3 =	vor.u32 v3, v4  }
0x8b: {  	v4 =	vperm.xlane v3, v0;
	_ =	sdelay $0x1  }
0x8c: {  	v4 =	vadd.s32 v1, v4;
	_ =	sdelay $0x1  }
0x8d: {  	v3 =	vperm.xlane v3, v2;
	_ =	sdelay $0x1  }
0x8e: {  	v3 =	vadd.s32 v1, v3  }
0x8f: {  	[hbm4b:s4+s3] =	stream.indirect_vreg.scatter [tilespmem:s16], [sflag:$0x1], $0x80, v4, vm0, $0xb8;
	[tilespmem:$0x8180] =	vst v63  }
0x90: {  	_ = 	snop  }
0x91: {  	[hbm4b:s7+s3] =	stream.indirect_vreg.scatter [tilespmem:s17], [sflag:$0x1], $0x80, v4, vm1, $0xb8;
	[tilespmem:$0x8180] =	vst v63  }
0x92: {  	_ = 	snop  }
0x93: {  	[hbm4b:s4+s3] =	stream.indirect_vreg.scatter [tilespmem:s18], [sflag:$0x1], $0x80, v3, vm0, $0xb8;
	[tilespmem:$0x8180] =	vst v63  }
0x94: {  	_ = 	snop  }
0x95: {  	[hbm4b:s7+s3] =	stream.indirect_vreg.scatter [tilespmem:s19], [sflag:$0x1], $0x80, v3, vm1, $0xb8;
	[tilespmem:$0x8180] =	vst v63  }
0x96: {  	v3 =	vld [tilespmem:$0x120];
	_ =	sdelay $0x4  }
0x97: {  	v62 =	vshrl.u32 v3, $0x3  }
0x98: {  	v4 =	vmul.u32 $0x18, v62  }
0x99: {  	v3 =	vand.u32 $0x7, v3  }
0x9a: {  	v3 =	vor.u32 v3, v4  }
0x9b: {  	v4 =	vperm.xlane v3, v0;
	_ =	sdelay $0x1  }
0x9c: {  	v4 =	vadd.s32 v1, v4;
	_ =	sdelay $0x1  }
0x9d: {  	v3 =	vperm.xlane v3, v2;
	_ =	sdelay $0x1  }
0x9e: {  	v3 =	vadd.s32 v1, v3  }
0x9f: {  	[hbm4b:s4+s3] =	stream.indirect_vreg.scatter [tilespmem:s20], [sflag:$0x1], $0x80, v4, vm0, $0xb8;
	[tilespmem:$0x8180] =	vst v63  }
0xa0: {  	_ = 	snop  }
0xa1: {  	[hbm4b:s7+s3] =	stream.indirect_vreg.scatter [tilespmem:s21], [sflag:$0x1], $0x80, v4, vm1, $0xb8;
	[tilespmem:$0x8180] =	vst v63  }
0xa2: {  	_ = 	snop  }
0xa3: {  	[hbm4b:s4+s3] =	stream.indirect_vreg.scatter [tilespmem:s22], [sflag:$0x1], $0x80, v3, vm0, $0xb8;
	[tilespmem:$0x8180] =	vst v63  }
0xa4: {  	_ = 	snop  }
0xa5: {  	[hbm4b:s7+s3] =	stream.indirect_vreg.scatter [tilespmem:s23], [sflag:$0x1], $0x80, v3, vm1, $0xb8;
	[tilespmem:$0x8180] =	vst v63  }
0xa6: {  	v3 =	vld [tilespmem:$0x130];
	_ =	sdelay $0x4  }
0xa7: {  	v63 =	vshrl.u32 v3, $0x3  }
0xa8: {  	v4 =	vmul.u32 $0x18, v63  }
0xa9: {  	v3 =	vand.u32 $0x7, v3  }
0xaa: {  	v3 =	vor.u32 v3, v4  }
0xab: {  	v4 =	vperm.xlane v3, v0;
	_ =	sdelay $0x1  }
0xac: {  	v4 =	vadd.s32 v1, v4;
	_ =	sdelay $0x1  }
0xad: {  	v3 =	vperm.xlane v3, v2;
	_ =	sdelay $0x1  }
0xae: {  	v3 =	vadd.s32 v1, v3  }
0xaf: {  	[hbm4b:s4+s3] =	stream.indirect_vreg.scatter [tilespmem:s24], [sflag:$0x1], $0x80, v4, vm0, $0xb8;
	[tilespmem:$0x8180] =	vst v63  }
0xb0: {  	_ = 	snop  }
0xb1: {  	[hbm4b:s7+s3] =	stream.indirect_vreg.scatter [tilespmem:s25], [sflag:$0x1], $0x80, v4, vm1, $0xb8;
	[tilespmem:$0x8180] =	vst v63  }
0xb2: {  	_ = 	snop  }
0xb3: {  	[hbm4b:s4+s3] =	stream.indirect_vreg.scatter [tilespmem:s26], [sflag:$0x1], $0x80, v3, vm0, $0xb8;
	[tilespmem:$0x8180] =	vst v63  }
0xb4: {  	_ = 	snop  }
0xb5: {  	[hbm4b:s7+s3] =	stream.indirect_vreg.scatter [tilespmem:s28], [sflag:$0x1], $0x80, v3, vm1, $0xb8;
	[tilespmem:$0x8180] =	vst v63  }
0xb6: {  	_ =	swait.ge [sflag:s11], $0x6000  }
0xb7: {  	p0 =	sne.s32 s9, $0x1;
	[sflag:s11] =	ssyncset.done $0x0  }
.Ltmp0:
0xb8: {  	[sflag:s11] =	ssyncadd.s32 $0xFFFFA000;
	(pc) =	sbr.rel @p0 .LBB2_1-.Ltmp0, $4  }
0xb9: {  	[hbm4b:s2+s29] =	stream.indirect.scatter [tilespmem:s12], [sflag:$0x1], $0x80, s31, s29, $0xb8;
	[tilespmem:$0x8180] =	vst v63  }
0xba: {  	_ =	swait.ge [sflag:s11], $0x2000  }
0xbb: {  	[sflag:s11] =	ssyncset.done $0x0  }
0xbc: {  	s9 =	sadd.s32 $0xFFFFFFFF, s9;
	[sflag:s11] =	ssyncadd.s32 $0xFFFFE000  }
0xbd: {  	_ =	sfence.sel $0x180000  }
0xbe: {  	[bflag:$0x0] =	sbarrier.arrive $0xFFFF  }
0xbf: {  	_ =	strace $0x90000047  }
0xc0: {  	[bflag:$0x2] =	sbarrier.arrive $0xFFFF  }
0xc1: {  	p0 =	sne.s32 s0, $0x0;
	s0 =	rddreg [dreg:$0x2]  }
0xc2: {  	s0 =	sadd.s32 @!p0 $0x100000, s0  }
0xc3: {  	[sflag:s0] =	ssyncadd.tile.s32 @!p0 $0x1;
	_ =	shalt  }
.Lfunc_end2:
_tile_overlayer_lowered:
.L_overlay_start_2:
0xc4: {  	(tag) =	ssettag $0x2  }
0xc5: {  	s0 =	rddreg [dreg:$0x0];
	s2 =	stileid.u32  }
0xc6: {  	s1 =	rddreg [dreg:$0x1];
	p0 =	sne.s32 s2, $0x0  }
0xc7: {  	s3 =	rddreg [dreg:$0x2];
	[bflag:$0x3] =	sbarrier.arrive $0xFFFF;
	s2 =	simm.s32 @!p0 $0x1C01  }
0xc8: {  	[timem:s3], [sflag:s2] =	dma.local @!p0 [hbm:s0], s1  }
0xc9: {  	s0 =	simm.s32 @!p0 $0x1  }
0xca: {  	_ =	swait.ge @!p0 [sflag:s0], s1  }
0xcb: {  	s1 =	ssub.s32 @!p0 $0x0, s1;
	[sflag:s0] =	ssyncset.done @!p0 $0x0  }
0xcc: {  	[sflag:s0] =	ssyncadd.s32 @!p0 s1  }
0xcd: {  	[bflag:$0x3] =	sbarrier.arrive $0xFFFF  }
0xce: {  	_ =	shalt  }

// kernel: kernel.9.cloned.1.call-start
scs
__scs_entry_jumppad:
0x0: {  	(pc) =	sbr.rel $0x88, $3  }
0x1: {  	(tag) =	ssettag $0x0;
	lr =	simm.s32 $0x1  }
0x2: {  	[smem:$0x3F9D] =	sst lr;
	_ =	strace $0xD0000000  }
0x3: {  	_ = 	snop  }
0x4: {  	_ = 	snop  }
0x5: {  	_ = 	snop  }
0x6: {  	_ = 	snop  }
0x7: {  	_ = 	snop  }
__scs_overlays_trampoline_lowered:
0x8: {  	[smem:$0x3FAC] =	sst s0  }
0x9: {  	[smem:$0x3FAD] =	sst s1  }
0xa: {  	[smem:$0x3FAE] =	sst s2  }
0xb: {  	[smem:$0x3FAF] =	sst s3  }
0xc: {  	[smem:$0x3FB0] =	sst s4  }
0xd: {  	[smem:$0x3FB1] =	sst s5  }
0xe: {  	[smem:$0x3FB2] =	sst s6  }
0xf: {  	[smem:$0x3FB3] =	sst s7  }
0x10: {  	[smem:$0x3FB4] =	sst s8  }
0x11: {  	[smem:$0x3FB5] =	sst s9;
	s0 =	simm.s32 @!p0 $0x0  }
0x12: {  	s1 =	sld [smem:$0x3F9B];
	s0 =	simm.s32 @p0 $0x1  }
0x13: {  	[smem:$0x3FB6] =	sst s0;
	s0 =	simm.s32 @!p1 $0x0  }
0x14: {  	s2 =	sld [smem:$0x3F9A];
	s0 =	simm.s32 @p1 $0x1  }
0x15: {  	[smem:$0x3FB7] =	sst s0;
	s0 =	simm.s32 @!p2 $0x0  }
0x16: {  	s3 =	sld [smem:$0x3FDB];
	s0 =	simm.s32 @p2 $0x1  }
0x17: {  	s4 =	simm.s32 $0x1BF5;
	[smem:$0x3FB9] =	sst s0  }
0x18: {  	s0 =	sld [smem:$0x3F9C];
	_ =	swait.ge [sflag:s4], $0x0  }
0x19: {  	s7 =	sld [smem:$0x3F9D]  }
0x1a: {  	s8 =	sadd.s32 $0xFFFFE003, lr  }
0x1b: {  	s9 =	sadd.s32 $0xFFFFFEF7, lr;
	s5 =	simm.s32 $0xFFFFFFFF;
	p2 =	slt.u32 s8, $0xFFFFF086  }
0x1c: {  	p1 =	slt.u32 s9, $0xF7A;
	s5 =	simm.s32 @!p2 $0x0  }
0x1d: {  	s5 =	simm.s32 @p1 $0x1;
	p0 =	seq.s32 s7, s2  }
0x1e: {  	s7 =	smul.u32 @!p0 $0xF7A, s2;
	p2 =	seq.s32 @!p0 s5, $0x0  }
0x1f: {  	s9 =	smul.u32 $0xF7A, s1;
	s8 =	simm.s32 @!p0 $0x1BF5;
	p2 =	por !p2, p0  }
0x20: {  	[sflag:s8] =	ssyncset.s32 @!p0 $0xFFFFF086;
	s6 =	sadd.s32 @!p0 s3, s7;
	s7 =	simm.s32 @!p0 $0x108  }
0x21: {  	s3 =	sadd.s32 s3, s9;
	s6 =	sadd.s32 @!p0 $0x88, s6;
	s7 =	simm.s32 @p2 $0x1082  }
0x22: {  	[simem:s7], [sflag:s8] =	dma.local @!p0 [hbm:s6], $0xF7A  }
0x23: {  	s9 =	sor.u32 $0xD0000000, s2;
	s6 =	simm.s32 $0x108;
	_ =	swait.ge @!p0 [sflag:s8], $0x0  }
0x24: {  	s3 =	sadd.s32 $0x88, s3;
	s6 =	simm.s32 @!p1 $0x1082;
	[sflag:s4] =	ssyncset.s32 $0xFFFFF086  }
0x25: {  	[simem:s6], [sflag:s4] =	dma.local [hbm:s3], $0xF7A  }
0x26: {  	[smem:$0x3F9D] =	sst s1;
	(tag) =	ssettag s2;
	_ =	strace s9  }
0x27: {  	s1 =	sld [smem:$0x3FAD]  }
0x28: {  	s2 =	sld [smem:$0x3FAE]  }
0x29: {  	s4 =	sld [smem:$0x3FB0]  }
0x2a: {  	p0 =	seq.s32 s5, $0x0;
	s5 =	sld [smem:$0x3FB1]  }
0x2b: {  	s6 =	sld [smem:$0x3FB2]  }
0x2c: {  	s7 =	sld [smem:$0x3FB3]  }
0x2d: {  	s3 =	simm.s32 $0x108;
	s8 =	sld [smem:$0x3FB4]  }
0x2e: {  	s3 =	simm.s32 @!p0 $0x1082;
	s9 =	sld [smem:$0x3FB5]  }
0x2f: {  	lr =	sadd.s32 s0, s3;
	s0 =	sld [smem:$0x3FAC]  }
0x30: {  	s3 =	sld [smem:$0x3FAF]  }
0x31: {  	[smem:$0x3FB8] =	sst s10  }
0x32: {  	s10 =	sld [smem:$0x3FB6];
	_ =	sdelay $0x3  }
0x33: {  	p0 =	seq.s32 s10, $0x1;
	s10 =	sld [smem:$0x3FB8];
	_ =	sdelay $0x3  }
0x34: {  	[smem:$0x3FB8] =	sst s10  }
0x35: {  	s10 =	sld [smem:$0x3FB7];
	_ =	sdelay $0x3  }
0x36: {  	p1 =	seq.s32 s10, $0x1;
	s10 =	sld [smem:$0x3FB8];
	_ =	sdelay $0x3  }
0x37: {  	[smem:$0x3FB8] =	sst s10  }
0x38: {  	s10 =	sld [smem:$0x3FB9]  }
0x39: {  	_ = 	snop;
	(pc) =	sbr.ind lr, $3  }
0x3a: {  	_ = 	snop  }
0x3b: {  	_ = 	snop  }
0x3c: {  	p2 =	seq.s32 s10, $0x1;
	s10 =	sld [smem:$0x3FB8]  }
0x3d: {  	_ =	shalt  }
0x3e: {  	_ =	shalt  }
0x3f: {  	_ =	shalt  }
0x40: {  	_ =	shalt  }
0x41: {  	_ =	shalt  }
0x42: {  	_ =	shalt  }
0x43: {  	_ =	shalt  }
0x44: {  	_ =	shalt  }
0x45: {  	_ =	shalt  }
0x46: {  	_ =	shalt  }
0x47: {  	_ =	shalt  }
0x48: {  	_ =	shalt  }
0x49: {  	_ =	shalt  }
0x4a: {  	_ =	shalt  }
0x4b: {  	_ =	shalt  }
0x4c: {  	_ =	shalt  }
0x4d: {  	_ =	shalt  }
0x4e: {  	_ =	shalt  }
0x4f: {  	_ =	shalt  }
0x50: {  	_ =	shalt  }
0x51: {  	_ =	shalt  }
0x52: {  	_ =	shalt  }
0x53: {  	_ =	shalt  }
0x54: {  	_ =	shalt  }
0x55: {  	_ =	shalt  }
0x56: {  	_ =	shalt  }
0x57: {  	_ =	shalt  }
0x58: {  	_ =	shalt  }
0x59: {  	_ =	shalt  }
0x5a: {  	_ =	shalt  }
0x5b: {  	_ =	shalt  }
0x5c: {  	_ =	shalt  }
0x5d: {  	_ =	shalt  }
0x5e: {  	_ =	shalt  }
0x5f: {  	_ =	shalt  }
0x60: {  	_ =	shalt  }
0x61: {  	_ =	shalt  }
0x62: {  	_ =	shalt  }
0x63: {  	_ =	shalt  }
0x64: {  	_ =	shalt  }
0x65: {  	_ =	shalt  }
0x66: {  	_ =	shalt  }
0x67: {  	_ =	shalt  }
0x68: {  	_ =	shalt  }
0x69: {  	_ =	shalt  }
0x6a: {  	_ =	shalt  }
0x6b: {  	_ =	shalt  }
0x6c: {  	_ =	shalt  }
0x6d: {  	_ =	shalt  }
0x6e: {  	_ =	shalt  }
0x6f: {  	_ =	shalt  }
0x70: {  	_ =	shalt  }
0x71: {  	_ =	shalt  }
0x72: {  	_ =	shalt  }
0x73: {  	_ =	shalt  }
0x74: {  	_ =	shalt  }
0x75: {  	_ =	shalt  }
0x76: {  	_ =	shalt  }
0x77: {  	_ =	shalt  }
0x78: {  	_ =	shalt  }
0x79: {  	_ =	shalt  }
0x7a: {  	_ =	shalt  }
0x7b: {  	_ =	shalt  }
0x7c: {  	_ =	shalt  }
0x7d: {  	_ =	shalt  }
0x7e: {  	_ =	shalt  }
0x7f: {  	_ =	shalt  }
0x80: {  	_ =	shalt  }
0x81: {  	_ =	shalt  }
0x82: {  	_ =	shalt  }
0x83: {  	_ =	shalt  }
0x84: {  	_ =	shalt  }
0x85: {  	_ =	shalt  }
0x86: {  	_ =	shalt  }
0x87: {  	_ =	shalt  }
.Lfunc_end0:
.L_simem_size_0:
called_computation.1_lowered:
.L_overlay_start_0:
0x88: {  	s2 =	sld [smem:$0x3FD9]  }
0x89: {  	s3 =	sld [smem:$0x3FFE];
	_ =	sdelay $0x1  }
0x8a: {  	s1 =	srdreg.scid  }
0x8b: {  	s0 =	sand.u32 $0x1, s1  }
0x8c: {  	s17 =	sshll.u32 s0, $0xA;
	s2 =	sadd.s32 s3, s2  }
0x8d: {  	s2 =	sadd.s32 s2, s17  }
0x8e: {  	[smem:$0x3FC4] =	sst s2  }
0x8f: {  	_ = 	snop  }
0x90: {  	s2 =	sld [smem:$0x3FD0];
	(tm) =	ssettm $0x1  }
0x91: {  	s18 =	sld [smem:$0x3FFB];
	_ =	sdelay $0x3  }
0x92: {  	_ =	strace s18  }
0x93: {  	s3 =	sld [smem:$0x3FFC];
	_ =	sdelay $0x3  }
0x94: {  	_ =	strace s3  }
0x95: {  	s3 =	sld [smem:$0x3FFD];
	_ =	sdelay $0x3  }
0x96: {  	_ =	strace s3  }
0x97: {  	_ =	strace $0x8FFFFFFF  }
0x98: {  	s19 =	sld [smem:$0x3FDB];
	_ =	sdelay $0x1  }
0x99: {  	s4 =	simm.s32 $_scs_section_size  }
0x9a: {  	s5 =	simm.s32 $_size__tile_overlayer_lowered;
	s6 =	simm.s32 $_tile_overlayer_lowered  }
0x9b: {  	s22 =	simm.s32 $0x1BFF;
	s21 =	sshll.u32 s6, $0x1;
	s3 =	sadd.s32 s4, s19  }
0x9c: {  	s7 =	simm.s32 $0x0;
	s20 =	sshll.u32 s5, $0x1;
	s5 =	sadd.s32 s21, s3  }
0x9d: {  	[timem:s7], [sflag:s22] =	dma.local [hbm:s5], s20  }
0x9e: {  	_ =	swait.ge [sflag:s22], s20  }
0x9f: {  	s4 =	ssub.s32 $0x0, s20;
	[sflag:s22] =	ssyncset.done $0x0  }
0xa0: {  	[sflag:s22] =	ssyncadd.s32 s4;
	_ =	sdelay $0x1  }
0xa1: {  	s23 =	simm.s32 $0x1B8B  }
0xa2: {  	_ =	swait.ge [sflag:s23], $0x1  }
0xa3: {  	[sflag:s23] =	ssyncset.done $0x0  }
0xa4: {  	s25 =	simm.s32 $0x1B8E;
	s24 =	sld [smem:$0x3FFE];
	[sflag:s23] =	ssyncadd.s32 $0xFFFFFFFF  }
0xa5: {  	s26 =	simm.s32 $execute0_lowered;
	[smem:$0x3FD2] =	sst s25  }
0xa6: {  	s5 =	sshll.u32 s26, $0x1;
	_ =	strace $0x80000049;
	[dreg:$0x1] =	wrdreg $0xFFFFFFFF  }
0xa7: {  	s28 =	simm.s32 $_size_execute0_lowered;
	s3 =	sadd.s32 s3, s5;
	[dreg:$0x0] =	wrdreg $0x0  }
0xa8: {  	s5 =	sshll.u32 s28, $0x1;
	[dreg:$0x2] =	wrdreg s3  }
0xa9: {  	[dreg:$0x3] =	wrdreg s5  }
0xaa: {  	[dreg:$0x4] =	wrdreg $0xC0  }
0xab: {  	_ =	task [dreg:s7], $0x5FFFF  }
0xac: {  	[dreg:$0x1] =	wrdreg $0xFFFFFFFF  }
0xad: {  	[dreg:$0x0] =	wrdreg $0x60  }
0xae: {  	[dreg:$0x2] =	wrdreg s24  }
0xaf: {  	[dreg:$0x3] =	wrdreg s2  }
0xb0: {  	[dreg:$0x4] =	wrdreg $0x9  }
0xb1: {  	_ =	task.clear_ibuf [dreg:s7], $0x5FFFF;
	_ =	strace $0x90000049  }
0xb2: {  	s29 =	simm.s32 $0x9;
	_ =	strace $0x8000004B  }
0xb3: {  	_ =	swait.ge [sflag:s29], $0x1  }
0xb4: {  	[sflag:s29] =	ssyncadd.s32 $0xFFFFFFFF  }
0xb5: {  	_ =	strace $0x9000004B  }
0xb6: {  	_ =	sfence  }
0xb7: {  	s30 =	sld [smem:$0x0];
	_ =	sdelay $0x2  }
0xb8: {  	s31 =	sshll.u32 s1, $0xD;
	s1 =	sshrl.u32 s1, $0x2  }
0xb9: {  	s3 =	sand.u32 $0x4000, s31;
	s1 =	sadd.s32 s1, s30  }
0xba: {  	s0 =	sor.u32 s3, s0;
	s1 =	sshll.u32 s1, $0x11  }
0xbb: {  	s0 =	sor.u32 s1, s0  }
0xbc: {  	s0 =	sadd.s32 $0x8F2B, s0  }
0xbd: {  	[sflag:s0] =	ssyncadd.remote.s32 $0x1  }
0xbe: {  	_ =	sfence.sel $0xFFFF  }
0xbf: {  	[dreg:$0x0] =	wrdreg $0xFFFFFFFF;
	(pc) =	sbr.abs _section_cstart, $3  }
0xc0: {  	[dreg:$0x1] =	wrdreg $0xFFFFFFFF  }
0xc1: {  	_ =	task.clear_ibuf [dreg:s7], $0x2FFFF;
	_ =	strace $0x9FFFFFFF  }
0xc2: {  	(tm) =	ssettm $0x7FFFFFFF  }
0xc3: {  	_ =	shalt  }
tec
execute0_lowered:
.L_overlay_start_1:
0x0: {  	(tag) =	ssettag $0x1  }
0x1: {  	s0 =	rddreg [dreg:$0x0]  }
0x2: {  	s1 =	rddreg [dreg:$0x1];
	s3 =	srdreg.scid  }
0x3: {  	s2 =	simm.s32 $0x0;
	s5 =	stileid.u32;
	s21 =	simm.s32 $0x1  }
0x4: {  	s23 =	simm.s32 $0x2;
	s25 =	simm.s32 $0x0;
	s4 =	sand.u32 $0x1, s3  }
0x5: {  	[smem:$0x7FF] =	sst s2;
	s5 =	sshll.u32 s5, $0x4;
	s3 =	sadd.s32 $0x2A000, s0  }
0x6: {  	s8 =	sadd.s32 $0x29E00, s0;
	s6 =	sshll.u32 s4, $0x3;
	s4 =	ssub.s32 $0x2, s4  }
0x7: {  	_ =	strace $0x8000004A;
	s5 =	sor.u32 s6, s5;
	s9 =	sshrl.u32 s4, $0x1  }
0x8: {  	s6 =	sor.u32 $0x4, s5;
	s7 =	smul.u32 $0x300, s5;
	s28 =	sadd.s32 s8, s5  }
0x9: {  	s10 =	smul.u32 $0x300, s6;
	[dreg:$0x5] =	wrdreg s28;
	s29 =	sadd.s32 s8, s6  }
0xa: {  	v2 =	vlaneseq.u32;
	s9 =	ssub.s32 s4, s9;
	[dreg:$0x6] =	wrdreg s29;
	s30 =	sadd.s32 s1, s7  }
0xb: {  	vm0 =	vmmov $0xffff;
	vm1 =	vmmov $0xff;
	v1 =	vshrl.u32 v2, $0x3;
	s5 =	sadd.s32 $0x2A100, s0;
	[dreg:$0x7] =	wrdreg s30;
	s31 =	sadd.s32 s1, s10  }
0xc: {  	v0 =	vand.u32 $0x7, v2;
	v2 =	vor.u32 $0x8, v2;
	v1 =	vmul.u32 $0x8, v1;
	s9 =	smax.u32 s9, $0x1;
	s10 =	simm.s32 $0x3;
	[dreg:$0x8] =	wrdreg s31  }
.LBB2_1:
0xd: {  	s0 =	rddreg [dreg:$0x5]  }
0xe: {  	[tilespmem:s2], [sflag:$0x3] =	stream.linear.gather [hbm4b:s0+s2], $0x20, $0x38;
	[tilespmem:$0x18280] =	vst v63  }
0xf: {  	_ =	swait.ge [sflag:s10], $0x20  }
0x10: {  	[sflag:s10] =	ssyncset.done $0x0  }
0x11: {  	[sflag:s10] =	ssyncadd.s32 $0xFFFFFFE0  }
0x12: {  	v3 =	vld [tilespmem:$0x0];
	_ =	sdelay $0x4  }
0x13: {  	v4 =	vand.u32 $0xFFFF, v3  }
0x14: {  	[tilespmem:$0x80] =	vst v4  }
0x15: {  	v4 =	vld [tilespmem:$0x80];
	_ =	sdelay $0x4  }
0x16: {  	v5 =	vshrl.u32 v4, $0x3  }
0x17: {  	v5 =	vmul.u32 $0x18, v5  }
0x18: {  	v4 =	vand.u32 $0x7, v4  }
0x19: {  	v6 =	vld [tilespmem:$0x10];
	v4 =	vor.u32 v4, v5  }
0x1a: {  	v5 =	vperm.xlane v4, v0;
	_ =	sdelay $0x1  }
0x1b: {  	v5 =	vadd.s32 v1, v5  }
0x1c: {  	v3 =	vshra.s32 v3, $0x10  }
0x1d: {  	[tilespmem:$0x100] =	vst v3;
	v3 =	vand.u32 $0xFFFF, v6;
	v4 =	vperm.xlane v4, v2  }
0x1e: {  	[tilespmem:$0x90] =	vst v3;
	v3 =	vshra.s32 v6, $0x10  }
0x1f: {  	s17 =	simm.s32 $0x280;
	[tilespmem:$0x110] =	vst v3;
	v3 =	vadd.s32 v1, v4  }
0x20: {  	[tilespmem:s17], [sflag:$0x1] =	stream.indirect_vreg.gather [hbm4b:s3+s2], $0x80, v5, vm0, $0xb8;
	[tilespmem:$0x18280] =	vst v63  }
0x21: {  	s18 =	simm.s32 $0xA80  }
0x22: {  	[tilespmem:s18], [sflag:$0x1] =	stream.indirect_vreg.gather [hbm4b:s5+s2], $0x80, v5, vm1, $0xb8;
	[tilespmem:$0x18280] =	vst v63  }
0x23: {  	s19 =	simm.s32 $0xE80  }
0x24: {  	[tilespmem:s19], [sflag:$0x1] =	stream.indirect_vreg.gather [hbm4b:s3+s2], $0x80, v3, vm0, $0xb8;
	[tilespmem:$0x18280] =	vst v63  }
0x25: {  	s20 =	simm.s32 $0x1680  }
0x26: {  	[tilespmem:s20], [sflag:$0x1] =	stream.indirect_vreg.gather [hbm4b:s5+s2], $0x80, v3, vm1, $0xb8;
	[tilespmem:$0x18280] =	vst v63  }
0x27: {  	v3 =	vld [tilespmem:$0x90];
	_ =	sdelay $0x4  }
0x28: {  	v55 =	vshrl.u32 v3, $0x3  }
0x29: {  	v4 =	vmul.u32 $0x18, v55  }
0x2a: {  	v3 =	vand.u32 $0x7, v3  }
0x2b: {  	v3 =	vor.u32 v3, v4  }
0x2c: {  	v4 =	vperm.xlane v3, v0;
	_ =	sdelay $0x1  }
0x2d: {  	v4 =	vadd.s32 v1, v4;
	_ =	sdelay $0x1  }
0x2e: {  	v3 =	vperm.xlane v3, v2;
	_ =	sdelay $0x1  }
0x2f: {  	s22 =	simm.s32 $0x1A80;
	v3 =	vadd.s32 v1, v3  }
0x30: {  	[tilespmem:s22], [sflag:$0x1] =	stream.indirect_vreg.gather [hbm4b:s3+s2], $0x80, v4, vm0, $0xb8;
	[tilespmem:$0x18280] =	vst v63  }
0x31: {  	s24 =	simm.s32 $0x2280  }
0x32: {  	[tilespmem:s24], [sflag:$0x1] =	stream.indirect_vreg.gather [hbm4b:s5+s2], $0x80, v4, vm1, $0xb8;
	[tilespmem:$0x18280] =	vst v63  }
0x33: {  	s26 =	simm.s32 $0x2680  }
0x34: {  	[tilespmem:s26], [sflag:$0x1] =	stream.indirect_vreg.gather [hbm4b:s3+s2], $0x80, v3, vm0, $0xb8;
	[tilespmem:$0x18280] =	vst v63  }
0x35: {  	s28 =	simm.s32 $0x2E80  }
0x36: {  	[tilespmem:s28], [sflag:$0x1] =	stream.indirect_vreg.gather [hbm4b:s5+s2], $0x80, v3, vm1, $0xb8;
	[tilespmem:$0x18280] =	vst v63  }
0x37: {  	v3 =	vld [tilespmem:$0x100];
	_ =	sdelay $0x4  }
0x38: {  	v56 =	vshrl.u32 v3, $0x3  }
0x39: {  	v4 =	vmul.u32 $0x18, v56  }
0x3a: {  	v3 =	vand.u32 $0x7, v3  }
0x3b: {  	v3 =	vor.u32 v3, v4  }
0x3c: {  	v4 =	vperm.xlane v3, v0;
	_ =	sdelay $0x1  }
0x3d: {  	v4 =	vadd.s32 v1, v4;
	_ =	sdelay $0x1  }
0x3e: {  	v3 =	vperm.xlane v3, v2;
	_ =	sdelay $0x1  }
0x3f: {  	s29 =	simm.s32 $0x3280;
	v3 =	vadd.s32 v1, v3  }
0x40: {  	[tilespmem:s29], [sflag:$0x1] =	stream.indirect_vreg.gather [hbm4b:s3+s2], $0x80, v4, vm0, $0xb8;
	[tilespmem:$0x18280] =	vst v63  }
0x41: {  	s30 =	simm.s32 $0x3A80  }
0x42: {  	[tilespmem:s30], [sflag:$0x1] =	stream.indirect_vreg.gather [hbm4b:s5+s2], $0x80, v4, vm1, $0xb8;
	[tilespmem:$0x18280] =	vst v63  }
0x43: {  	s31 =	simm.s32 $0x3E80  }
0x44: {  	[tilespmem:s31], [sflag:$0x1] =	stream.indirect_vreg.gather [hbm4b:s3+s2], $0x80, v3, vm0, $0xb8;
	[tilespmem:$0x18280] =	vst v63  }
0x45: {  	s1 =	simm.s32 $0x4680  }
0x46: {  	[tilespmem:s1], [sflag:$0x1] =	stream.indirect_vreg.gather [hbm4b:s5+s2], $0x80, v3, vm1, $0xb8;
	[tilespmem:$0x18280] =	vst v63  }
0x47: {  	v3 =	vld [tilespmem:$0x110];
	_ =	sdelay $0x4  }
0x48: {  	v57 =	vshrl.u32 v3, $0x3  }
0x49: {  	v4 =	vmul.u32 $0x18, v57  }
0x4a: {  	v3 =	vand.u32 $0x7, v3  }
0x4b: {  	v3 =	vor.u32 v3, v4  }
0x4c: {  	v4 =	vperm.xlane v3, v0;
	_ =	sdelay $0x1  }
0x4d: {  	v4 =	vadd.s32 v1, v4;
	_ =	sdelay $0x1  }
0x4e: {  	v3 =	vperm.xlane v3, v2;
	_ =	sdelay $0x1  }
0x4f: {  	s4 =	simm.s32 $0x4A80;
	v3 =	vadd.s32 v1, v3  }
0x50: {  	[tilespmem:s4], [sflag:$0x1] =	stream.indirect_vreg.gather [hbm4b:s3+s2], $0x80, v4, vm0, $0xb8;
	[tilespmem:$0x18280] =	vst v63  }
0x51: {  	s6 =	simm.s32 $0x5280  }
0x52: {  	[tilespmem:s6], [sflag:$0x1] =	stream.indirect_vreg.gather [hbm4b:s5+s2], $0x80, v4, vm1, $0xb8;
	[tilespmem:$0x18280] =	vst v63  }
0x53: {  	s7 =	simm.s32 $0x5680  }
0x54: {  	[tilespmem:s7], [sflag:$0x1] =	stream.indirect_vreg.gather [hbm4b:s3+s2], $0x80, v3, vm0, $0xb8;
	[tilespmem:$0x18280] =	vst v63  }
0x55: {  	s8 =	simm.s32 $0x5E80  }
0x56: {  	[tilespmem:s8], [sflag:$0x1] =	stream.indirect_vreg.gather [hbm4b:s5+s2], $0x80, v3, vm1, $0xb8;
	[tilespmem:$0x18280] =	vst v63  }
0x57: {  	s11 =	rddreg [dreg:$0x6]  }
0x58: {  	[tilespmem:s2], [sflag:$0x3] =	stream.linear.gather [hbm4b:s11+s2], $0x20, $0x38;
	[tilespmem:$0x18280] =	vst v63  }
0x59: {  	_ =	swait.ge [sflag:s10], $0x20  }
0x5a: {  	[sflag:s10] =	ssyncset.done $0x0  }
0x5b: {  	[sflag:s10] =	ssyncadd.s32 $0xFFFFFFE0  }
0x5c: {  	v3 =	vld [tilespmem:$0x0];
	_ =	sdelay $0x4  }
0x5d: {  	v58 =	vand.u32 $0xFFFF, v3  }
0x5e: {  	[tilespmem:$0x180] =	vst v58  }
0x5f: {  	v4 =	vld [tilespmem:$0x180];
	_ =	sdelay $0x4  }
0x60: {  	v59 =	vshrl.u32 v4, $0x3  }
0x61: {  	v5 =	vmul.u32 $0x18, v59  }
0x62: {  	v4 =	vand.u32 $0x7, v4  }
0x63: {  	v60 =	vld [tilespmem:$0x10];
	v4 =	vor.u32 v4, v5  }
0x64: {  	v5 =	vperm.xlane v4, v0;
	_ =	sdelay $0x1  }
0x65: {  	v5 =	vadd.s32 v1, v5  }
0x66: {  	v3 =	vshra.s32 v3, $0x10  }
0x67: {  	[tilespmem:$0x200] =	vst v3;
	v3 =	vand.u32 $0xFFFF, v60;
	v4 =	vperm.xlane v4, v2  }
0x68: {  	[tilespmem:$0x190] =	vst v3;
	v3 =	vshra.s32 v60, $0x10  }
0x69: {  	s12 =	simm.s32 $0x6280;
	[tilespmem:$0x210] =	vst v3;
	v3 =	vadd.s32 v1, v4  }
0x6a: {  	[tilespmem:s12], [sflag:$0x1] =	stream.indirect_vreg.gather [hbm4b:s3+s2], $0x80, v5, vm0, $0xb8;
	[tilespmem:$0x18280] =	vst v63  }
0x6b: {  	s13 =	simm.s32 $0x6A80  }
0x6c: {  	[tilespmem:s13], [sflag:$0x1] =	stream.indirect_vreg.gather [hbm4b:s5+s2], $0x80, v5, vm1, $0xb8;
	[tilespmem:$0x18280] =	vst v63  }
0x6d: {  	s14 =	simm.s32 $0x6E80  }
0x6e: {  	[tilespmem:s14], [sflag:$0x1] =	stream.indirect_vreg.gather [hbm4b:s3+s2], $0x80, v3, vm0, $0xb8;
	[tilespmem:$0x18280] =	vst v63  }
0x6f: {  	s15 =	simm.s32 $0x7680  }
0x70: {  	[tilespmem:s15], [sflag:$0x1] =	stream.indirect_vreg.gather [hbm4b:s5+s2], $0x80, v3, vm1, $0xb8;
	[tilespmem:$0x18280] =	vst v63  }
0x71: {  	v3 =	vld [tilespmem:$0x190];
	_ =	sdelay $0x4  }
0x72: {  	v61 =	vshrl.u32 v3, $0x3  }
0x73: {  	v4 =	vmul.u32 $0x18, v61  }
0x74: {  	v3 =	vand.u32 $0x7, v3  }
0x75: {  	v3 =	vor.u32 v3, v4  }
0x76: {  	v4 =	vperm.xlane v3, v0;
	_ =	sdelay $0x1  }
0x77: {  	v4 =	vadd.s32 v1, v4;
	_ =	sdelay $0x1  }
0x78: {  	v3 =	vperm.xlane v3, v2;
	_ =	sdelay $0x1  }
0x79: {  	s16 =	simm.s32 $0x7A80;
	v3 =	vadd.s32 v1, v3  }
0x7a: {  	[tilespmem:s16], [sflag:$0x1] =	stream.indirect_vreg.gather [hbm4b:s3+s2], $0x80, v4, vm0, $0xb8;
	[tilespmem:$0x18280] =	vst v63  }
0x7b: {  	s17 =	simm.s32 $0x8280  }
0x7c: {  	[tilespmem:s17], [sflag:$0x1] =	stream.indirect_vreg.gather [hbm4b:s5+s2], $0x80, v4, vm1, $0xb8;
	[tilespmem:$0x18280] =	vst v63  }
0x7d: {  	s18 =	simm.s32 $0x8680  }
0x7e: {  	[tilespmem:s18], [sflag:$0x1] =	stream.indirect_vreg.gather [hbm4b:s3+s2], $0x80, v3, vm0, $0xb8;
	[tilespmem:$0x18280] =	vst v63  }
0x7f: {  	s19 =	simm.s32 $0x8E80  }
0x80: {  	[tilespmem:s19], [sflag:$0x1] =	stream.indirect_vreg.gather [hbm4b:s5+s2], $0x80, v3, vm1, $0xb8;
	[tilespmem:$0x18280] =	vst v63  }
0x81: {  	v3 =	vld [tilespmem:$0x200];
	_ =	sdelay $0x4  }
0x82: {  	v62 =	vshrl.u32 v3, $0x3  }
0x83: {  	v4 =	vmul.u32 $0x18, v62  }
0x84: {  	v3 =	vand.u32 $0x7, v3  }
0x85: {  	v3 =	vor.u32 v3, v4  }
0x86: {  	v4 =	vperm.xlane v3, v0;
	_ =	sdelay $0x1  }
0x87: {  	v4 =	vadd.s32 v1, v4;
	_ =	sdelay $0x1  }
0x88: {  	v3 =	vperm.xlane v3, v2;
	_ =	sdelay $0x1  }
0x89: {  	s20 =	simm.s32 $0x9280;
	v3 =	vadd.s32 v1, v3  }
0x8a: {  	[tilespmem:s20], [sflag:$0x1] =	stream.indirect_vreg.gather [hbm4b:s3+s2], $0x80, v4, vm0, $0xb8;
	[tilespmem:$0x18280] =	vst v63  }
0x8b: {  	s22 =	simm.s32 $0x9A80  }
0x8c: {  	[tilespmem:s22], [sflag:$0x1] =	stream.indirect_vreg.gather [hbm4b:s5+s2], $0x80, v4, vm1, $0xb8;
	[tilespmem:$0x18280] =	vst v63  }
0x8d: {  	s24 =	simm.s32 $0x9E80  }
0x8e: {  	[tilespmem:s24], [sflag:$0x1] =	stream.indirect_vreg.gather [hbm4b:s3+s2], $0x80, v3, vm0, $0xb8;
	[tilespmem:$0x18280] =	vst v63  }
0x8f: {  	s26 =	simm.s32 $0xA680  }
0x90: {  	[tilespmem:s26], [sflag:$0x1] =	stream.indirect_vreg.gather [hbm4b:s5+s2], $0x80, v3, vm1, $0xb8;
	[tilespmem:$0x18280] =	vst v63  }
0x91: {  	v3 =	vld [tilespmem:$0x210];
	_ =	sdelay $0x4  }
0x92: {  	v63 =	vshrl.u32 v3, $0x3  }
0x93: {  	v4 =	vmul.u32 $0x18, v63  }
0x94: {  	v3 =	vand.u32 $0x7, v3  }
0x95: {  	v3 =	vor.u32 v3, v4  }
0x96: {  	v4 =	vperm.xlane v3, v0;
	_ =	sdelay $0x1  }
0x97: {  	v4 =	vadd.s32 v1, v4;
	_ =	sdelay $0x1  }
0x98: {  	v3 =	vperm.xlane v3, v2;
	_ =	sdelay $0x1  }
0x99: {  	s28 =	simm.s32 $0xAA80;
	v3 =	vadd.s32 v1, v3  }
0x9a: {  	[tilespmem:s28], [sflag:$0x1] =	stream.indirect_vreg.gather [hbm4b:s3+s2], $0x80, v4, vm0, $0xb8;
	[tilespmem:$0x18280] =	vst v63  }
0x9b: {  	s29 =	simm.s32 $0xB280  }
0x9c: {  	[tilespmem:s29], [sflag:$0x1] =	stream.indirect_vreg.gather [hbm4b:s5+s2], $0x80, v4, vm1, $0xb8;
	[tilespmem:$0x18280] =	vst v63  }
0x9d: {  	s30 =	simm.s32 $0xB680  }
0x9e: {  	[tilespmem:s30], [sflag:$0x1] =	stream.indirect_vreg.gather [hbm4b:s3+s2], $0x80, v3, vm0, $0xb8;
	[tilespmem:$0x18280] =	vst v63  }
0x9f: {  	s31 =	simm.s32 $0xBE80  }
0xa0: {  	[tilespmem:s31], [sflag:$0x1] =	stream.indirect_vreg.gather [hbm4b:s5+s2], $0x80, v3, vm1, $0xb8;
	[tilespmem:$0x18280] =	vst v63  }
0xa1: {  	_ =	swait.ge [sflag:s21], $0x3000  }
0xa2: {  	[sflag:s21] =	ssyncset.done $0x0  }
0xa3: {  	[sflag:s21] =	ssyncadd.s32 $0xFFFFD000  }
0xa4: {  	_ =	swait.ge [sflag:s21], $0x3000  }
0xa5: {  	[sflag:s21] =	ssyncset.done $0x0  }
0xa6: {  	s26 =	simm.s32 $0x0;
	[sflag:s21] =	ssyncadd.s32 $0xFFFFD000  }
.LBB2_2:
0xa7: {  	s0 =	sshrl.u32 s26, $0x3  }
0xa8: {  	s11 =	sshll.u32 s26, $0x7;
	s1 =	smul.u32 $0xC00, s0  }
0xa9: {  	s28 =	sand.u32 $0x380, s11  }
0xaa: {  	s1 =	sor.u32 s28, s1  }
0xab: {  	s29 =	simm.s32 $0x0;
	s6 =	simm.s32 $0x0;
	[dreg:$0x3] =	wrdreg s1  }
0xac: {  	s14 =	sand.u32 $0x40, s6;
	s13 =	sand.u32 $0xC00, s29;
	s1 =	rddreg [dreg:$0x3]  }
0xad: {  	s31 =	simm.s32 $0x1B0;
	s16 =	sor.u32 $0x30, s14;
	s1 =	sadd.s32 s1, s13  }
0xae: {  	s15 =	simm.s32 $0x190;
	s7 =	simm.s32 $0xC80;
	s12 =	sor.u32 s16, s1  }
0xaf: {  	s8 =	simm.s32 $0x1A0;
	s22 =	simm.s32 $0xD00;
	s0 =	smul.u32 $0x6000, s0;
	v5 =	vld [tilespmem:s12+$0x280]  }
0xb0: {  	s15 =	sand.u32 $0x50, s15;
	s24 =	sand.u32 $0x1C00, s22;
	s17 =	sor.u32 s14, s1;
	v6 =	vld [tilespmem:s12+$0x3280]  }
0xb1: {  	s4 =	sand.u32 $0x60, s8;
	s6 =	simm.s32 $0xD80;
	s18 =	sor.u32 $0x10, s14;
	v8 =	vld [tilespmem:s17+$0x280]  }
0xb2: {  	s11 =	sor.u32 $0x20, s14;
	s0 =	sshra.s32 s0, $0x2;
	s19 =	sor.u32 s18, s1;
	v12 =	vld [tilespmem:s17+$0x3280]  }
0xb3: {  	s30 =	sadd.s32 $0xC280, s0;
	s20 =	sor.u32 s11, s1;
	s1 =	sand.u32 $0x1C00, s7;
	v4 =	vld [tilespmem:s19+$0x280]  }
0xb4: {  	s8 =	sand.u32 $0x70, s31;
	s0 =	simm.s32 $0x0;
	s1 =	sadd.s32 s1, s30  }
0xb5: {  	v3 =	vmov s28;
	s13 =	sadd.s32 s13, s30;
	s17 =	sadd.s32 s24, s30;
	s12 =	sadd.s32 s15, s1;
	v9 =	vand.u32 $0xFFFF0000, v5;
	v10 =	vand.u32 $0xFFFF0000, v6  }
0xb6: {  	v7 =	vld [tilespmem:s19+$0x3280];
	s1 =	sadd.s32 s4, s17;
	s15 =	sadd.s32 s28, s13;
	s17 =	sand.u32 $0x1C00, s6;
	v11 =	vshll.u32 v5, $0x10;
	v6 =	vshll.u32 v6, $0x10;
	v14 =	vadd.f32 v10, v9  }
0xb7: {  	s13 =	sadd.s32 s14, s13;
	s7 =	sadd.s32 s16, s15;
	s24 =	sadd.s32 s17, s30;
	v5 =	vld [tilespmem:s20+$0x280];
	v9 =	vand.u32 $0xFFFF0000, v8;
	v10 =	vand.u32 $0xFFFF0000, v12;
	v13 =	vadd.f32 v6, v11  }
0xb8: {  	s17 =	sadd.s32 s14, s15;
	s16 =	sadd.s32 s18, s15;
	s14 =	sadd.s32 s8, s24;
	v6 =	vld [tilespmem:s20+$0x3280];
	v11 =	vshll.u32 v8, $0x10;
	v12 =	vshll.u32 v12, $0x10;
	v8 =	vand.u32 $0xFFFF0000, v4;
	[tilespmem:s7+$0x0] =	vst v14  }
.LBB2_3:
0xb9: {  	s31 =	sadd.s32 $0x40, s31  }
0xba: {  	s29 =	sadd.s32 $0x200, s29;
	s7 =	sadd.s32 $0xFFFFFE50, s31  }
0xbb: {  	s18 =	rddreg [dreg:$0x3];
	v9 =	vadd.f32 v10, v9;
	[tilespmem:v3+s14+$0x0 ss:$0x1] =	vst.idx.msk $0xffff, v13;
	s20 =	sand.u32 $0xC00, s29;
	s14 =	sand.u32 $0x40, s7  }
0xbc: {  	v11 =	vadd.f32 v12, v11;
	s18 =	sadd.s32 s18, s20;
	v14 =	vand.u32 $0xFFFF0000, v7;
	s22 =	sor.u32 $0x30, s14  }
0xbd: {  	s15 =	sadd.s32 s11, s15;
	s0 =	sadd.s32 $0x4, s0;
	[tilespmem:s17+$0x0] =	vst v9;
	v8 =	vadd.f32 v14, v8;
	s8 =	sor.u32 s22, s18  }
0xbe: {  	v4 =	vshll.u32 v4, $0x10;
	s19 =	sadd.s32 $0xFFFFFFE0, s31;
	p0 =	slt.u32 s0, $0x14;
	s6 =	sadd.s32 $0xFFFFFFF0, s31;
	[tilespmem:v3+s13+$0xC00 ss:$0x1] =	vst.idx.msk $0xffff, v11;
	v7 =	vshll.u32 v7, $0x10;
	v9 =	vld [tilespmem:s8+$0x280]  }
0xbf: {  	s7 =	sadd.s32 $0xD00, s29;
	s6 =	sand.u32 $0x60, s6;
	s13 =	sor.u32 s14, s18;
	v4 =	vadd.f32 v7, v4;
	[tilespmem:s16+$0x0] =	vst v8;
	v8 =	vld [tilespmem:s8+$0x3280]  }
0xc0: {  	s17 =	sadd.s32 $0xD80, s29;
	s24 =	sor.u32 $0x10, s14;
	s11 =	sor.u32 $0x20, s14;
	v10 =	vand.u32 $0xFFFF0000, v5;
	v12 =	vand.u32 $0xFFFF0000, v6;
	v11 =	vld [tilespmem:s13+$0x280]  }
0xc1: {  	s7 =	sand.u32 $0x1C00, s7;
	v5 =	vshll.u32 v5, $0x10;
	v6 =	vshll.u32 v6, $0x10;
	s4 =	sor.u32 s24, s18;
	s18 =	sor.u32 s11, s18;
	v7 =	vadd.f32 v12, v10;
	v12 =	vld [tilespmem:s13+$0x3280];
	[tilespmem:v3+s12+$0x0 ss:$0x1] =	vst.idx.msk $0xffff, v4  }
0xc2: {  	s7 =	sadd.s32 s7, s30;
	v5 =	vadd.f32 v6, v5;
	s16 =	sadd.s32 $0xC80, s29;
	s8 =	sand.u32 $0x50, s19;
	v4 =	vld [tilespmem:s4+$0x280]  }
.Ltmp0:
0xc3: {  	s19 =	sand.u32 $0x1C00, s17;
	s16 =	sand.u32 $0x1C00, s16;
	[tilespmem:s15+$0x0] =	vst v7;
	(pc) =	sbr.rel @p0 .LBB2_3-.Ltmp0, $4  }
0xc4: {  	s15 =	sadd.s32 s16, s30;
	[tilespmem:v3+s1+$0x0 ss:$0x1] =	vst.idx.msk $0xffff, v5;
	s1 =	sadd.s32 s6, s7;
	s16 =	sadd.s32 s20, s30;
	v10 =	vand.u32 $0xFFFF0000, v9;
	v13 =	vand.u32 $0xFFFF0000, v8  }
0xc5: {  	v7 =	vld [tilespmem:s4+$0x3280];
	s4 =	sadd.s32 s19, s30;
	s12 =	sadd.s32 s8, s15;
	s15 =	sadd.s32 s28, s16;
	v14 =	vshll.u32 v9, $0x10;
	v9 =	vand.u32 $0xFFFF0000, v11;
	v15 =	vadd.f32 v13, v10  }
0xc6: {  	v5 =	vld [tilespmem:s18+$0x280];
	s13 =	sadd.s32 s14, s16;
	s20 =	sadd.s32 s22, s15;
	s22 =	sand.u32 $0x70, s31;
	v11 =	vshll.u32 v11, $0x10;
	v8 =	vshll.u32 v8, $0x10;
	v10 =	vand.u32 $0xFFFF0000, v12  }
0xc7: {  	v6 =	vld [tilespmem:s18+$0x3280];
	s17 =	sadd.s32 s14, s15;
	s16 =	sadd.s32 s24, s15;
	s14 =	sadd.s32 s22, s4;
	v13 =	vadd.f32 v8, v14;
	v12 =	vshll.u32 v12, $0x10;
	v8 =	vand.u32 $0xFFFF0000, v4;
	[tilespmem:s20+$0x0] =	vst v15  }
0xc8: {  	_ =	sdelay $0x2  }
0xc9: {  	v9 =	vadd.f32 v10, v9  }
0xca: {  	v11 =	vadd.f32 v12, v11;
	s26 =	sadd.s32 $0x1, s26;
	[tilespmem:v3+s14+$0x0 ss:$0x1] =	vst.idx.msk $0xffff, v13;
	v57 =	vand.u32 $0xFFFF0000, v7  }
0xcb: {  	v4 =	vshll.u32 v4, $0x10;
	p0 =	sne.s32 s26, $0x20;
	v58 =	vshll.u32 v7, $0x10;
	[tilespmem:s17+$0x0] =	vst v9;
	v8 =	vadd.f32 v57, v8  }
.Ltmp1:
0xcc: {  	v59 =	vand.u32 $0xFFFF0000, v5;
	v4 =	vadd.f32 v58, v4;
	[tilespmem:v3+s13+$0xC00 ss:$0x1] =	vst.idx.msk $0xffff, v11;
	v60 =	vand.u32 $0xFFFF0000, v6;
	(pc) =	sbr.rel @p0 .LBB2_2-.Ltmp1, $4  }
0xcd: {  	v61 =	vshll.u32 v5, $0x10;
	v62 =	vshll.u32 v6, $0x10;
	v63 =	vadd.f32 v60, v59;
	[tilespmem:s16+$0x0] =	vst v8  }
0xce: {  	s0 =	sadd.s32 s11, s15;
	v5 =	vadd.f32 v62, v61;
	[tilespmem:v3+s12+$0x0 ss:$0x1] =	vst.idx.msk $0xffff, v4  }
0xcf: {  	[tilespmem:s0+$0x0] =	vst v63  }
0xd0: {  	[tilespmem:v3+s1+$0x0 ss:$0x1] =	vst.idx.msk $0xffff, v5  }
0xd1: {  	s26 =	simm.s32 $0x0;
	s0 =	rddreg [dreg:$0x7];
	s1 =	simm.s32 $0xC280  }
0xd2: {  	[hbm4b:s0+s26] =	stream.linear.scatter [tilespmem:s1], [sflag:$0x2], $0x6000, $0x38;
	[tilespmem:$0x18280] =	vst v63  }
0xd3: {  	_ =	swait.ge [sflag:s21], $0x3000  }
0xd4: {  	[sflag:s21] =	ssyncset.done $0x0  }
0xd5: {  	[sflag:s21] =	ssyncadd.s32 $0xFFFFD000  }
0xd6: {  	_ =	swait.ge [sflag:s21], $0x3000  }
0xd7: {  	[sflag:s21] =	ssyncset.done $0x0  }
0xd8: {  	s28 =	simm.s32 $0x0;
	[sflag:s21] =	ssyncadd.s32 $0xFFFFD000  }
.LBB2_6:
0xd9: {  	s0 =	sshrl.u32 s28, $0x3  }
0xda: {  	s4 =	sshll.u32 s28, $0x7;
	s1 =	smul.u32 $0xC00, s0  }
0xdb: {  	s29 =	sand.u32 $0x380, s4  }
0xdc: {  	s1 =	sor.u32 s29, s1  }
0xdd: {  	s22 =	simm.s32 $0x0;
	s6 =	sand.u32 $0xC00, s26;
	[dreg:$0x4] =	wrdreg s1  }
0xde: {  	s31 =	simm.s32 $0x1B0;
	s4 =	sand.u32 $0x40, s22;
	s1 =	rddreg [dreg:$0x4]  }
0xdf: {  	s13 =	simm.s32 $0x190;
	s7 =	sor.u32 $0x30, s4;
	s1 =	sadd.s32 s1, s6  }
0xe0: {  	s24 =	simm.s32 $0xC80;
	s8 =	simm.s32 $0x1A0;
	s12 =	sor.u32 s7, s1  }
0xe1: {  	s16 =	simm.s32 $0xD00;
	s20 =	simm.s32 $0xD80;
	s0 =	smul.u32 $0x6000, s0;
	v5 =	vld [tilespmem:s12+$0x6280]  }
0xe2: {  	s13 =	sand.u32 $0x50, s13;
	s16 =	sand.u32 $0x1C00, s16;
	s14 =	sor.u32 s4, s1;
	v6 =	vld [tilespmem:s12+$0x9280]  }
0xe3: {  	s18 =	sand.u32 $0x60, s8;
	s15 =	sor.u32 $0x10, s4;
	s0 =	sshra.s32 s0, $0x2;
	v8 =	vld [tilespmem:s14+$0x6280]  }
0xe4: {  	s22 =	sand.u32 $0x1C00, s20;
	s30 =	sadd.s32 $0x12280, s0;
	s17 =	sor.u32 s15, s1;
	v12 =	vld [tilespmem:s14+$0x9280]  }
0xe5: {  	s11 =	sor.u32 $0x20, s4;
	s0 =	simm.s32 $0x0;
	s6 =	sadd.s32 s6, s30;
	v4 =	vld [tilespmem:s17+$0x6280]  }
0xe6: {  	s19 =	sor.u32 s11, s1;
	s1 =	sand.u32 $0x1C00, s24;
	s24 =	sand.u32 $0x70, s31  }
0xe7: {  	v3 =	vmov s29;
	s1 =	sadd.s32 s1, s30;
	s14 =	sadd.s32 s16, s30;
	s16 =	sadd.s32 s29, s6;
	v9 =	vand.u32 $0xFFFF0000, v5;
	v10 =	vand.u32 $0xFFFF0000, v6  }
0xe8: {  	v7 =	vld [tilespmem:s17+$0x9280];
	s12 =	sadd.s32 s13, s1;
	s1 =	sadd.s32 s18, s14;
	s14 =	sadd.s32 s4, s6;
	v11 =	vshll.u32 v5, $0x10;
	v6 =	vshll.u32 v6, $0x10;
	v14 =	vadd.f32 v10, v9  }
0xe9: {  	s7 =	sadd.s32 s7, s16;
	s6 =	sadd.s32 s22, s30;
	s18 =	sadd.s32 s4, s16;
	v5 =	vld [tilespmem:s19+$0x6280];
	v9 =	vand.u32 $0xFFFF0000, v8;
	v10 =	vand.u32 $0xFFFF0000, v12;
	v13 =	vadd.f32 v6, v11  }
0xea: {  	s17 =	sadd.s32 s15, s16;
	s13 =	simm.s32 $0x0;
	s15 =	sadd.s32 s24, s6;
	v6 =	vld [tilespmem:s19+$0x9280];
	v11 =	vshll.u32 v8, $0x10;
	v12 =	vshll.u32 v12, $0x10;
	v8 =	vand.u32 $0xFFFF0000, v4;
	[tilespmem:s7+$0x0] =	vst v14  }
.LBB2_7:
0xeb: {  	s31 =	sadd.s32 $0x40, s31  }
0xec: {  	s13 =	sadd.s32 $0x200, s13;
	s7 =	sadd.s32 $0xFFFFFE50, s31  }
0xed: {  	s4 =	rddreg [dreg:$0x4];
	v9 =	vadd.f32 v10, v9;
	[tilespmem:v3+s15+$0x0 ss:$0x1] =	vst.idx.msk $0xffff, v13;
	s15 =	sand.u32 $0x40, s7;
	s7 =	sand.u32 $0xC00, s13  }
0xee: {  	v11 =	vadd.f32 v12, v11;
	v14 =	vand.u32 $0xFFFF0000, v7;
	s4 =	sadd.s32 s4, s7;
	s19 =	sor.u32 $0x30, s15  }
0xef: {  	s6 =	sadd.s32 s11, s16;
	s0 =	sadd.s32 $0x4, s0;
	[tilespmem:s18+$0x0] =	vst v9;
	v8 =	vadd.f32 v14, v8;
	s18 =	sor.u32 s19, s4  }
0xf0: {  	v4 =	vshll.u32 v4, $0x10;
	s16 =	sadd.s32 $0xFFFFFFE0, s31;
	p0 =	slt.u32 s0, $0x14;
	s8 =	sadd.s32 $0xD00, s13;
	[tilespmem:v3+s14+$0xC00 ss:$0x1] =	vst.idx.msk $0xffff, v11;
	v7 =	vshll.u32 v7, $0x10;
	v9 =	vld [tilespmem:s18+$0x6280]  }
0xf1: {  	s24 =	sadd.s32 $0xFFFFFFF0, s31;
	s8 =	sand.u32 $0x1C00, s8;
	v10 =	vand.u32 $0xFFFF0000, v5;
	v12 =	vand.u32 $0xFFFF0000, v6;
	v4 =	vadd.f32 v7, v4;
	s14 =	sor.u32 s15, s4;
	[tilespmem:s17+$0x0] =	vst v8;
	v8 =	vld [tilespmem:s18+$0x9280]  }
0xf2: {  	s24 =	sand.u32 $0x60, s24;
	v5 =	vshll.u32 v5, $0x10;
	v6 =	vshll.u32 v6, $0x10;
	s20 =	sor.u32 $0x10, s15;
	s11 =	sor.u32 $0x20, s15;
	v7 =	vadd.f32 v12, v10;
	v11 =	vld [tilespmem:s14+$0x6280]  }
0xf3: {  	s8 =	sadd.s32 s8, s30;
	v5 =	vadd.f32 v6, v5;
	s22 =	sor.u32 s20, s4;
	s4 =	sor.u32 s11, s4;
	v12 =	vld [tilespmem:s14+$0x9280];
	[tilespmem:v3+s12+$0x0 ss:$0x1] =	vst.idx.msk $0xffff, v4  }
0xf4: {  	s14 =	sadd.s32 s7, s30;
	s17 =	sadd.s32 $0xC80, s13;
	[tilespmem:s6+$0x0] =	vst v7;
	s12 =	sand.u32 $0x50, s16;
	v4 =	vld [tilespmem:s22+$0x6280]  }
.Ltmp2:
0xf5: {  	s17 =	sand.u32 $0x1C00, s17;
	[tilespmem:v3+s1+$0x0 ss:$0x1] =	vst.idx.msk $0xffff, v5;
	s1 =	sadd.s32 s24, s8;
	(pc) =	sbr.rel @p0 .LBB2_7-.Ltmp2, $4  }
0xf6: {  	s16 =	sadd.s32 s29, s14;
	s18 =	sadd.s32 s17, s30;
	v7 =	vld [tilespmem:s22+$0x9280];
	s17 =	sadd.s32 $0xD80, s13;
	v10 =	vand.u32 $0xFFFF0000, v9;
	v13 =	vand.u32 $0xFFFF0000, v8  }
0xf7: {  	s14 =	sadd.s32 s15, s14;
	v5 =	vld [tilespmem:s4+$0x6280];
	s12 =	sadd.s32 s12, s18;
	s18 =	sand.u32 $0x1C00, s17;
	v14 =	vshll.u32 v9, $0x10;
	v9 =	vand.u32 $0xFFFF0000, v11;
	v15 =	vadd.f32 v13, v10  }
0xf8: {  	s24 =	sand.u32 $0x70, s31;
	v6 =	vld [tilespmem:s4+$0x9280];
	s22 =	sadd.s32 s19, s16;
	s4 =	sadd.s32 s18, s30;
	v11 =	vshll.u32 v11, $0x10;
	v8 =	vshll.u32 v8, $0x10;
	v10 =	vand.u32 $0xFFFF0000, v12  }
0xf9: {  	s17 =	sadd.s32 s20, s16;
	s18 =	sadd.s32 s15, s16;
	s15 =	sadd.s32 s24, s4;
	v13 =	vadd.f32 v8, v14;
	v12 =	vshll.u32 v12, $0x10;
	v8 =	vand.u32 $0xFFFF0000, v4;
	[tilespmem:s22+$0x0] =	vst v15  }
0xfa: {  	_ =	sdelay $0x2  }
0xfb: {  	v9 =	vadd.f32 v10, v9  }
0xfc: {  	v11 =	vadd.f32 v12, v11;
	s28 =	sadd.s32 $0x1, s28;
	v57 =	vand.u32 $0xFFFF0000, v7;
	[tilespmem:v3+s15+$0x0 ss:$0x1] =	vst.idx.msk $0xffff, v13  }
0xfd: {  	v4 =	vshll.u32 v4, $0x10;
	v58 =	vshll.u32 v7, $0x10;
	p0 =	sne.s32 s28, $0x20;
	[tilespmem:s18+$0x0] =	vst v9;
	v8 =	vadd.f32 v57, v8  }
.Ltmp3:
0xfe: {  	v59 =	vand.u32 $0xFFFF0000, v5;
	v4 =	vadd.f32 v58, v4;
	v60 =	vand.u32 $0xFFFF0000, v6;
	[tilespmem:v3+s14+$0xC00 ss:$0x1] =	vst.idx.msk $0xffff, v11;
	(pc) =	sbr.rel @p0 .LBB2_6-.Ltmp3, $4  }
0xff: {  	v61 =	vshll.u32 v5, $0x10;
	v62 =	vshll.u32 v6, $0x10;
	v63 =	vadd.f32 v60, v59;
	[tilespmem:s17+$0x0] =	vst v8  }
0x100: {  	s0 =	sadd.s32 s11, s16;
	v5 =	vadd.f32 v62, v61;
	[tilespmem:v3+s12+$0x0 ss:$0x1] =	vst.idx.msk $0xffff, v4  }
0x101: {  	[tilespmem:s0+$0x0] =	vst v63  }
0x102: {  	[tilespmem:v3+s1+$0x0 ss:$0x1] =	vst.idx.msk $0xffff, v5  }
0x103: {  	_ =	swait.ge [sflag:s23], $0x6000;
	s25 =	sadd.s32 $0x1, s25  }
0x104: {  	s1 =	simm.s32 $0x12280;
	[sflag:s23] =	ssyncset.done $0x0;
	p0 =	sne.s32 s25, s9  }
.Ltmp4:
0x105: {  	s0 =	rddreg [dreg:$0x8];
	[sflag:s23] =	ssyncadd.s32 $0xFFFFA000;
	(pc) =	sbr.rel @p0 .LBB2_1-.Ltmp4, $4  }
0x106: {  	[hbm4b:s0+s2] =	stream.linear.scatter [tilespmem:s1], [sflag:$0x3], $0x6000, $0x38;
	[tilespmem:$0x18280] =	vst v63  }
0x107: {  	_ =	swait.ge [sflag:s10], $0x6000  }
0x108: {  	[sflag:s10] =	ssyncset.done $0x0  }
0x109: {  	[sflag:s10] =	ssyncadd.s32 $0xFFFFA000  }
0x10a: {  	_ =	sfence.sel $0x180000  }
0x10b: {  	[bflag:$0x0] =	sbarrier.arrive $0xFFFF  }
0x10c: {  	_ =	strace $0x9000004A  }
0x10d: {  	s0 =	stileid.u32;
	[bflag:$0x2] =	sbarrier.arrive $0xFFFF  }
0x10e: {  	p0 =	sne.s32 s0, $0x0;
	s0 =	rddreg [dreg:$0x2]  }
0x10f: {  	s0 =	sadd.s32 @!p0 $0x100000, s0  }
0x110: {  	[sflag:s0] =	ssyncadd.tile.s32 @!p0 $0x1;
	_ =	shalt  }
.Lfunc_end2:
_tile_overlayer_lowered:
.L_overlay_start_2:
0x111: {  	(tag) =	ssettag $0x2  }
0x112: {  	s0 =	rddreg [dreg:$0x0];
	s2 =	stileid.u32  }
0x113: {  	s1 =	rddreg [dreg:$0x1];
	p0 =	sne.s32 s2, $0x0  }
0x114: {  	s3 =	rddreg [dreg:$0x2];
	[bflag:$0x3] =	sbarrier.arrive $0xFFFF;
	s2 =	simm.s32 @!p0 $0x1C03  }
0x115: {  	[timem:s3], [sflag:s2] =	dma.local @!p0 [hbm:s0], s1  }
0x116: {  	s0 =	simm.s32 @!p0 $0x3  }
0x117: {  	_ =	swait.ge @!p0 [sflag:s0], s1  }
0x118: {  	s1 =	ssub.s32 @!p0 $0x0, s1;
	[sflag:s0] =	ssyncset.done @!p0 $0x0  }
0x119: {  	[sflag:s0] =	ssyncadd.s32 @!p0 s1  }
0x11a: {  	[bflag:$0x3] =	sbarrier.arrive $0xFFFF  }
0x11b: {  	_ =	shalt  }

</sc_bundles>
